<compile_context>
chip_gen: v7x
topology: tpu7x:2x2x1
jax: 0.10.2.dev20260603
libtpu: 0.0.44.dev20260713+nightly
codegen_flags: <defaults>
</compile_context>

<pallas_src>
import functools

import jax
import jax.numpy as jnp
from jax import lax
from jax.experimental import pallas as pl
from jax.experimental.pallas import tpu as pltpu
from jax.experimental.pallas import tpu_sc as plsc

N_NODES = 10000
D = 128
N_EDGES = 320000

NC = 2
NS = 16
NW = NC * NS

NP = 10240
ROWS_PER_TILE = NP // NS
EDGES_PER_TILE = N_EDGES // NW

CHUNK = 128
EDGE_ROWS = 2560
ROWS_PER_W = EDGE_ROWS // NW
NBUF = 2
NGRP = ROWS_PER_W // NBUF

def _zero_vmem_2d(ref, rows):
    z16 = jnp.zeros((16,), jnp.float32)

    def body(i, carry):
        for j in range(8):
            ref[i, pl.ds(j * 16, 16)] = z16
        return carry

    lax.fori_loop(0, rows, body, 0)


@functools.cache
def _make_sc_hist():
    mesh = plsc.VectorSubcoreMesh(core_axis_name="c", subcore_axis_name="s")
    return pl.kernel(
        _sc_hist,
        out_type=jax.ShapeDtypeStruct((NC, NP), jnp.float32),
        mesh=mesh,
        scratch_types=[
            [pltpu.VMEM((CHUNK,), jnp.int32) for _ in range(NBUF)],
            pltpu.VMEM((CHUNK,), jnp.float32),
            pltpu.VMEM((ROWS_PER_TILE,), jnp.float32),
            pltpu.VMEM_SHARED((NP,), jnp.float32),
            [pltpu.SemaphoreType.DMA for _ in range(NBUF)],
            [pltpu.SemaphoreType.DMA for _ in range(NBUF)],
        ],
    )


def _sc_hist(dst_hbm, out_hbm, dst_v, ones_v, zero_v, hist_sh, isems, ssems):
    c = lax.axis_index("c")
    s = lax.axis_index("s")
    wid = c * NS + s

    one16 = jnp.ones((16,), jnp.float32)
    z16 = jnp.zeros((16,), jnp.float32)
    for j in range(CHUNK // 16):
        ones_v[pl.ds(j * 16, 16)] = one16

    def zb(i, carry):
        zero_v[pl.ds(i * 16, 16)] = z16
        return carry

    lax.fori_loop(0, ROWS_PER_TILE // 16, zb, 0)
    pltpu.sync_copy(zero_v, hist_sh.at[pl.ds(s * ROWS_PER_TILE, ROWS_PER_TILE)])
    plsc.subcore_barrier()

    base = wid * ROWS_PER_W

    def eb(j, carry):
        off = (base + j) * CHUNK
        pltpu.sync_copy(dst_hbm.at[pl.ds(off, CHUNK)], dst_v[0])
        pltpu.sync_copy(ones_v, hist_sh.at[dst_v[0]], add=True)
        return carry

    lax.fori_loop(0, ROWS_PER_W, eb, 0)
    plsc.subcore_barrier()
    pltpu.sync_copy(
        hist_sh.at[pl.ds(s * ROWS_PER_TILE, ROWS_PER_TILE)],
        out_hbm.at[c, pl.ds(s * ROWS_PER_TILE, ROWS_PER_TILE)],
    )


@functools.cache
def _make_sc_agg():
    mesh = plsc.VectorSubcoreMesh(core_axis_name="c", subcore_axis_name="s")
    return pl.kernel(
        _sc_agg,
        out_type=jax.ShapeDtypeStruct((NC, NP, D), jnp.float32),
        mesh=mesh,
        scratch_types=[
            [pltpu.VMEM((CHUNK,), jnp.int32) for _ in range(NBUF)],
            [pltpu.VMEM((CHUNK,), jnp.int32) for _ in range(NBUF)],
            [pltpu.VMEM((CHUNK, D), jnp.float32) for _ in range(NBUF)],
            pltpu.VMEM((16, D), jnp.float32),
            pltpu.VMEM_SHARED((NP, D), jnp.float32),
            [pltpu.SemaphoreType.DMA for _ in range(NBUF)],
            [pltpu.SemaphoreType.DMA for _ in range(NBUF)],
            [pltpu.SemaphoreType.DMA for _ in range(NBUF)],
            [pltpu.SemaphoreType.DMA for _ in range(NBUF)],
        ],
    )


def _sc_agg(y_hbm, src_hbm, dst_hbm, out_hbm,
            src_v, dst_v, rows, zrow_v,
            acc_sh, isems, jsems, gsems, ssems):
    c = lax.axis_index("c")
    s = lax.axis_index("s")
    wid = c * NS + s

    _zero_vmem_2d(zrow_v, 16)

    def zc(i, carry):
        pltpu.sync_copy(zrow_v, acc_sh.at[pl.ds(s * ROWS_PER_TILE + i * 16, 16)])
        return carry

    lax.fori_loop(0, ROWS_PER_TILE // 16, zc, 0)
    plsc.subcore_barrier()

    base = wid * ROWS_PER_W

    def eb(j, carry):
        off = (base + j) * CHUNK
        pltpu.sync_copy(src_hbm.at[pl.ds(off, CHUNK)], src_v[0])
        pltpu.sync_copy(dst_hbm.at[pl.ds(off, CHUNK)], dst_v[0])
        pltpu.async_copy(y_hbm.at[src_v[0]], rows[0], gsems[0]).wait()
        pltpu.sync_copy(rows[0], acc_sh.at[dst_v[0]], add=True)
        return carry

    lax.fori_loop(0, ROWS_PER_W, eb, 0)

    plsc.subcore_barrier()
    pltpu.sync_copy(
        acc_sh.at[pl.ds(s * ROWS_PER_TILE, ROWS_PER_TILE)],
        out_hbm.at[c, pl.ds(s * ROWS_PER_TILE, ROWS_PER_TILE)],
    )


def _disb_from_hist(hist_ref):
    p = hist_ref[...]
    deg = p[0:1, :] + p[1:2, :] + 1.0
    dis = lax.rsqrt(deg)
    dis = dis * (1.5 - 0.5 * deg * dis * dis)
    ones = jnp.ones((1, D), jnp.float32)
    return lax.dot_general(dis, ones, (((0,), (0,)), ((), ())),
                           precision=lax.Precision.HIGHEST,
                           preferred_element_type=jnp.float32)


def _tc_prep(hist, x, W1):
    def body(hist_ref, x_ref, w_ref, y_ref, disb_ref):
        disb = _disb_from_hist(hist_ref)
        disb_ref[...] = disb
        xw = jnp.dot(x_ref[...], w_ref[...], preferred_element_type=jnp.float32)
        y_ref[...] = xw * disb[:N_NODES]

    return pl.pallas_call(
        body,
        out_shape=(
            jax.ShapeDtypeStruct((N_NODES, D), jnp.float32),
            jax.ShapeDtypeStruct((NP, D), jnp.float32),
        ),
    )(hist, x, W1)


def _tc_mid(disb, agg, y, b, W2):
    def body(disb_ref, agg_ref, y_ref, b_ref, w_ref, y2_ref):
        disb = disb_ref[...][:N_NODES]
        a = agg_ref[0, :N_NODES, :] + agg_ref[1, :N_NODES, :] + y_ref[...]
        h = jnp.maximum(disb * a + b_ref[...], 0.0)
        hw = jnp.dot(h, w_ref[...], preferred_element_type=jnp.float32)
        y2_ref[...] = hw * disb

    return pl.pallas_call(
        body,
        out_shape=jax.ShapeDtypeStruct((N_NODES, D), jnp.float32),
    )(disb, agg, y, b, W2)


def _tc_out(disb, agg, y, b, Wl, bl):
    def body(disb_ref, agg_ref, y_ref, b_ref, wl_ref, bl_ref, out_ref):
        disb = disb_ref[...][:N_NODES]
        a = agg_ref[0, :N_NODES, :] + agg_ref[1, :N_NODES, :] + y_ref[...]
        h = disb * a + b_ref[...]
        out_ref[...] = jnp.dot(h, wl_ref[...],
                               preferred_element_type=jnp.float32) + bl_ref[...]

    return pl.pallas_call(
        body,
        out_shape=jax.ShapeDtypeStruct((N_NODES, 1), jnp.float32),
    )(disb, agg, y, b, Wl, bl)


def kernel(x, edge_index, W1, b1, W2, b2, Wl, bl):
    n_pad = EDGE_ROWS * CHUNK - N_EDGES
    src = jnp.concatenate(
        [edge_index[0], jnp.zeros((n_pad,), edge_index.dtype)])
    dst = jnp.concatenate(
        [edge_index[1], jnp.full((n_pad,), NP - 1, edge_index.dtype)])

    sc_hist = _make_sc_hist()
    sc_agg = _make_sc_agg()
    hist = sc_hist(dst)
    y1, disb = _tc_prep(hist, x, W1)
    agg1 = sc_agg(y1, src, dst)
    y2 = _tc_mid(disb, agg1, y1, b1.reshape(1, D), W2)
    agg2 = sc_agg(y2, src, dst)
    out = _tc_out(disb, agg2, y2, b2.reshape(1, D),
                  Wl, bl.reshape(1, 1))
    return jnp.squeeze(out, axis=-1)

# --- scband reference (transcript-rebuilt; emitter-appended) ---
"""Pipeline reference for scband-hetero-gnn-34626026340525 (READ-ONLY COPY).

The authoritative reference and input builder live on the scoring server;
editing this copy changes nothing except your own understanding.
"""

import jax, jax.numpy as jnp
import numpy as np

N_NODES = 10000
D_FEAT = 128
HIDDEN = 128
N_EDGES = 320000


def gcn_conv(x, edge_index, W, b):
    # Faithful PyG GCNConv: add self-loops, symmetric normalization, sum aggregation, bias.
    n = x.shape[0]
    loop = jnp.arange(n, dtype=edge_index.dtype)
    src = jnp.concatenate([edge_index[0], loop])
    dst = jnp.concatenate([edge_index[1], loop])
    deg = jnp.zeros((n,), dtype=x.dtype).at[dst].add(1.0)
    deg_inv_sqrt = jnp.where(deg > 0, jax.lax.rsqrt(deg), 0.0)
    norm = deg_inv_sqrt[src] * deg_inv_sqrt[dst]
    xw = x @ W
    msg = xw[src] * norm[:, None]
    out = jnp.zeros((n, W.shape[1]), dtype=x.dtype).at[dst].add(msg)
    return out + b


def setup_inputs(seed: int = 0) -> dict:
    key = jax.random.key(seed)
    ks = jax.random.split(key, 8)
    x = jax.random.normal(ks[0], (N_NODES, D_FEAT), dtype=jnp.float32)
    edge_index = jax.random.randint(ks[1], (2, N_EDGES), 0, N_NODES, dtype=jnp.int32)
    W1 = jax.random.normal(ks[2], (D_FEAT, HIDDEN), dtype=jnp.float32) * 0.05
    b1 = jnp.zeros((HIDDEN,), dtype=jnp.float32)
    W2 = jax.random.normal(ks[3], (HIDDEN, HIDDEN), dtype=jnp.float32) * 0.05
    b2 = jnp.zeros((HIDDEN,), dtype=jnp.float32)
    Wl = jax.random.normal(ks[4], (HIDDEN, 1), dtype=jnp.float32) * 0.05
    bl = jnp.zeros((1,), dtype=jnp.float32)
    return {"x": x, "edge_index": edge_index, "W1": W1, "b1": b1, "W2": W2, "b2": b2, "Wl": Wl, "bl": bl}


def reference(x, edge_index, W1, b1, W2, b2, Wl, bl):
    # HeteroGNN with single node type 'house' and single edge type ('house','to','house').
    # Layer 1 (HeteroConv/GCNConv) -> ReLU (dropout inactive in eval) -> Layer 2 -> Linear -> squeeze.
    h = gcn_conv(x, edge_index, W1, b1)
    h = jax.nn.relu(h)
    h = gcn_conv(h, edge_index, W2, b2)
    out = h @ Wl + bl
    return jnp.squeeze(out, axis=-1)

if __name__ == "__main__":
    import jax
    _d = setup_inputs()
    print(jax.jit(kernel)(*tuple(_d.values())))

</pallas_src>

<mosaic_0001>
#map = affine_map<(d0, d1) -> (0, 0)>
#map1 = affine_map<(d0, d1) -> (0)>
#map2 = affine_map<(d0, d1) -> (0, 0, 0)>
module attributes {stable_mosaic.version = 14 : i64} {
  func.func @_sc_agg(%arg0: i32, %arg1: i32, %arg2: memref<10000x128xf32, #tpu.memory_space<hbm>>, %arg3: memref<327680xi32, #tpu.memory_space<hbm>>, %arg4: memref<327680xi32, #tpu.memory_space<hbm>>, %arg5: memref<2x10240x128xf32, #tpu.memory_space<hbm>>, %arg6: memref<128xi32, #tpu.memory_space<vmem>>, %arg7: memref<128xi32, #tpu.memory_space<vmem>>, %arg8: memref<128xi32, #tpu.memory_space<vmem>>, %arg9: memref<128xi32, #tpu.memory_space<vmem>>, %arg10: memref<128x128xf32, #tpu.memory_space<vmem>>, %arg11: memref<128x128xf32, #tpu.memory_space<vmem>>, %arg12: memref<16x128xf32, #tpu.memory_space<vmem>>, %arg13: memref<10240x128xf32, #tpu.memory_space<vmem_shared>>, %arg14: memref<!tpu.dma_semaphore, #tpu.memory_space<semaphore_mem>>, %arg15: memref<!tpu.dma_semaphore, #tpu.memory_space<semaphore_mem>>, %arg16: memref<!tpu.dma_semaphore, #tpu.memory_space<semaphore_mem>>, %arg17: memref<!tpu.dma_semaphore, #tpu.memory_space<semaphore_mem>>, %arg18: memref<!tpu.dma_semaphore, #tpu.memory_space<semaphore_mem>>, %arg19: memref<!tpu.dma_semaphore, #tpu.memory_space<semaphore_mem>>, %arg20: memref<!tpu.dma_semaphore, #tpu.memory_space<semaphore_mem>>, %arg21: memref<!tpu.dma_semaphore, #tpu.memory_space<semaphore_mem>>) attributes {dimension_semantics = [#tpu.dimension_semantics<core_parallel>, #tpu.dimension_semantics<subcore_parallel>], iteration_bounds = array<i64: 2, 16>, scalar_prefetch = 0 : i64, scratch_operands = 16 : i64, tpu.core_type = #tpu.core_type<sc_vector_subcore>, window_params = [{transform_indices = #map}, {transform_indices = #map1}, {transform_indices = #map1}, {transform_indices = #map2}]} {
    %mul3A = arith.constant 16 : i32
    %mul3A_0 = arith.muli %arg0, %mul3A : i32
    %add3A = arith.addi %mul3A_0, %arg1 : i32
    %broadcast_in_dim3A = arith.constant 0.000000e+00 : f32
    %broadcast_in_dim3A_1 = vector.broadcast %broadcast_in_dim3A : f32 to vector<16xf32>
    %scan3A = arith.constant 0 : i32
    %scan3A_2 = arith.constant 0 : i32
    %scan3A_3 = arith.constant 16 : i32
    %scan3A_4 = arith.addi %scan3A_2, %scan3A_3 : i32
    %scan3A_5 = arith.constant 1 : i32
    scf.for %scan3A_26 = %scan3A_2 to %scan3A_4 step %scan3A_5  : i32 {
      %swap3A = arith.index_cast %scan3A_26 : i32 to index
      %swap3A_27 = arith.constant 0 : index
      %swap3A_28 = tpu.vector_load %arg12[%swap3A, %swap3A_27] {strides = array<i32>} : memref<16x128xf32, #tpu.memory_space<vmem>>, vector<1x16xf32>,
      %swap3A_29 = vector.shape_cast %swap3A_28 : vector<1x16xf32> to vector<16xf32>
      %swap3A_30 = vector.shape_cast %broadcast_in_dim3A_1 : vector<16xf32> to vector<1x16xf32>
      tpu.vector_store %arg12[%swap3A, %swap3A_27], %swap3A_30 {strides = array<i32>} : memref<16x128xf32, #tpu.memory_space<vmem>>, vector<1x16xf32>,
      %swap3A_31 = arith.index_cast %scan3A_26 : i32 to index
      %swap3A_32 = arith.constant 16 : index
      %swap3A_33 = tpu.vector_load %arg12[%swap3A_31, %swap3A_32] {strides = array<i32>} : memref<16x128xf32, #tpu.memory_space<vmem>>, vector<1x16xf32>,
      %swap3A_34 = vector.shape_cast %swap3A_33 : vector<1x16xf32> to vector<16xf32>
      %swap3A_35 = vector.shape_cast %broadcast_in_dim3A_1 : vector<16xf32> to vector<1x16xf32>
      tpu.vector_store %arg12[%swap3A_31, %swap3A_32], %swap3A_35 {strides = array<i32>} : memref<16x128xf32, #tpu.memory_space<vmem>>, vector<1x16xf32>,
      %swap3A_36 = arith.index_cast %scan3A_26 : i32 to index
      %swap3A_37 = arith.constant 32 : index
      %swap3A_38 = tpu.vector_load %arg12[%swap3A_36, %swap3A_37] {strides = array<i32>} : memref<16x128xf32, #tpu.memory_space<vmem>>, vector<1x16xf32>,
      %swap3A_39 = vector.shape_cast %swap3A_38 : vector<1x16xf32> to vector<16xf32>
      %swap3A_40 = vector.shape_cast %broadcast_in_dim3A_1 : vector<16xf32> to vector<1x16xf32>
      tpu.vector_store %arg12[%swap3A_36, %swap3A_37], %swap3A_40 {strides = array<i32>} : memref<16x128xf32, #tpu.memory_space<vmem>>, vector<1x16xf32>,
      %swap3A_41 = arith.index_cast %scan3A_26 : i32 to index
      %swap3A_42 = arith.constant 48 : index
      %swap3A_43 = tpu.vector_load %arg12[%swap3A_41, %swap3A_42] {strides = array<i32>} : memref<16x128xf32, #tpu.memory_space<vmem>>, vector<1x16xf32>,
      %swap3A_44 = vector.shape_cast %swap3A_43 : vector<1x16xf32> to vector<16xf32>
      %swap3A_45 = vector.shape_cast %broadcast_in_dim3A_1 : vector<16xf32> to vector<1x16xf32>
      tpu.vector_store %arg12[%swap3A_41, %swap3A_42], %swap3A_45 {strides = array<i32>} : memref<16x128xf32, #tpu.memory_space<vmem>>, vector<1x16xf32>,
      %swap3A_46 = arith.index_cast %scan3A_26 : i32 to index
      %swap3A_47 = arith.constant 64 : index
      %swap3A_48 = tpu.vector_load %arg12[%swap3A_46, %swap3A_47] {strides = array<i32>} : memref<16x128xf32, #tpu.memory_space<vmem>>, vector<1x16xf32>,
      %swap3A_49 = vector.shape_cast %swap3A_48 : vector<1x16xf32> to vector<16xf32>
      %swap3A_50 = vector.shape_cast %broadcast_in_dim3A_1 : vector<16xf32> to vector<1x16xf32>
      tpu.vector_store %arg12[%swap3A_46, %swap3A_47], %swap3A_50 {strides = array<i32>} : memref<16x128xf32, #tpu.memory_space<vmem>>, vector<1x16xf32>,
      %swap3A_51 = arith.index_cast %scan3A_26 : i32 to index
      %swap3A_52 = arith.constant 80 : index
      %swap3A_53 = tpu.vector_load %arg12[%swap3A_51, %swap3A_52] {strides = array<i32>} : memref<16x128xf32, #tpu.memory_space<vmem>>, vector<1x16xf32>,
      %swap3A_54 = vector.shape_cast %swap3A_53 : vector<1x16xf32> to vector<16xf32>
      %swap3A_55 = vector.shape_cast %broadcast_in_dim3A_1 : vector<16xf32> to vector<1x16xf32>
      tpu.vector_store %arg12[%swap3A_51, %swap3A_52], %swap3A_55 {strides = array<i32>} : memref<16x128xf32, #tpu.memory_space<vmem>>, vector<1x16xf32>,
      %swap3A_56 = arith.index_cast %scan3A_26 : i32 to index
      %swap3A_57 = arith.constant 96 : index
      %swap3A_58 = tpu.vector_load %arg12[%swap3A_56, %swap3A_57] {strides = array<i32>} : memref<16x128xf32, #tpu.memory_space<vmem>>, vector<1x16xf32>,
      %swap3A_59 = vector.shape_cast %swap3A_58 : vector<1x16xf32> to vector<16xf32>
      %swap3A_60 = vector.shape_cast %broadcast_in_dim3A_1 : vector<16xf32> to vector<1x16xf32>
      tpu.vector_store %arg12[%swap3A_56, %swap3A_57], %swap3A_60 {strides = array<i32>} : memref<16x128xf32, #tpu.memory_space<vmem>>, vector<1x16xf32>,
      %swap3A_61 = arith.index_cast %scan3A_26 : i32 to index
      %swap3A_62 = arith.constant 112 : index
      %swap3A_63 = tpu.vector_load %arg12[%swap3A_61, %swap3A_62] {strides = array<i32>} : memref<16x128xf32, #tpu.memory_space<vmem>>, vector<1x16xf32>,
      %swap3A_64 = vector.shape_cast %swap3A_63 : vector<1x16xf32> to vector<16xf32>
      %swap3A_65 = vector.shape_cast %broadcast_in_dim3A_1 : vector<16xf32> to vector<1x16xf32>
      tpu.vector_store %arg12[%swap3A_61, %swap3A_62], %swap3A_65 {strides = array<i32>} : memref<16x128xf32, #tpu.memory_space<vmem>>, vector<1x16xf32>,
    }
    %scan3A_6 = arith.constant 16 : i32
    %scan3A_7 = arith.constant 0 : i32
    %scan3A_8 = arith.constant 0 : i32
    %scan3A_9 = arith.constant 40 : i32
    %scan3A_10 = arith.addi %scan3A_8, %scan3A_9 : i32
    %scan3A_11 = arith.constant 1 : i32
    scf.for %scan3A_26 = %scan3A_8 to %scan3A_10 step %scan3A_11  : i32 {
      %mul3A_27 = arith.constant 640 : i32
      %mul3A_28 = arith.muli %arg1, %mul3A_27 : i32
      %mul3A_29 = arith.constant 16 : i32
      %mul3A_30 = arith.muli %scan3A_26, %mul3A_29 : i32
      %add3A_31 = arith.addi %mul3A_28, %mul3A_30 : i32
      "tpu.region"() ({
        %run_scoped3A = tpu.sem_alloc : memref<!tpu.dma_semaphore, #tpu.memory_space<semaphore_mem>>
        %dma_start3A = arith.constant 0 : i32
        %dma_start3A_32 = tpu.memref_slice %arg13[%add3A_31, %dma_start3A] : memref<10240x128xf32, #tpu.memory_space<vmem_shared>> -> memref<16x128xf32, #tpu.memory_space<vmem_shared>>
        %dma_start3A_33 = arith.constant 0 : i32
        %dma_start3A_34 = tpu.memref_slice %arg13[%add3A_31, %dma_start3A_33] : memref<10240x128xf32, #tpu.memory_space<vmem_shared>> -> memref<16x128xf32, #tpu.memory_space<vmem_shared>>
        tpu.enqueue_dma source(%arg12 : memref<16x128xf32, #tpu.memory_space<vmem>>) target(%dma_start3A_34 : memref<16x128xf32, #tpu.memory_space<vmem_shared>>) target_semaphore(%run_scoped3A : memref<!tpu.dma_semaphore, #tpu.memory_space<semaphore_mem>>)
        %dma_wait3A = arith.constant 0 : i32
        %dma_wait3A_35 = tpu.memref_slice %arg13[%add3A_31, %dma_wait3A] : memref<10240x128xf32, #tpu.memory_space<vmem_shared>> -> memref<16x128xf32, #tpu.memory_space<vmem_shared>>
        %dma_wait3A_36 = arith.constant 0 : i32
        %dma_wait3A_37 = tpu.memref_slice %arg13[%add3A_31, %dma_wait3A_36] : memref<10240x128xf32, #tpu.memory_space<vmem_shared>> -> memref<16x128xf32, #tpu.memory_space<vmem_shared>>
        tpu.wait_dma2 semaphore(%run_scoped3A : memref<!tpu.dma_semaphore, #tpu.memory_space<semaphore_mem>>) src(%arg12 : memref<16x128xf32, #tpu.memory_space<vmem>>) dst(%dma_wait3A_37 : memref<16x128xf32, #tpu.memory_space<vmem_shared>>)
        tpu.yield
      }) : () -> ()
    }
    %scan3A_12 = arith.constant 40 : i32
    %barrier3A = arith.constant 0 : index
    tpu.barrier barrier_id(%barrier3A)
    %mul3A_13 = arith.constant 80 : i32
    %mul3A_14 = arith.muli %add3A, %mul3A_13 : i32
    %scan3A_15 = arith.constant 0 : i32
    %scan3A_16 = arith.constant 0 : i32
    %scan3A_17 = arith.constant 80 : i32
    %scan3A_18 = arith.addi %scan3A_16, %scan3A_17 : i32
    %scan3A_19 = arith.constant 1 : i32
    scf.for %scan3A_26 = %scan3A_16 to %scan3A_18 step %scan3A_19  : i32 {
      %add3A_27 = arith.addi %mul3A_14, %scan3A_26 : i32
      %mul3A_28 = arith.constant 128 : i32
      %mul3A_29 = arith.muli %add3A_27, %mul3A_28 : i32
      "tpu.region"() ({
        %run_scoped3A = tpu.sem_alloc : memref<!tpu.dma_semaphore, #tpu.memory_space<semaphore_mem>>
        %dma_start3A_34 = tpu.memref_slice %arg3[%mul3A_29] : memref<327680xi32, #tpu.memory_space<hbm>> -> memref<128xi32, #tpu.memory_space<hbm>>
        %dma_start3A_35 = tpu.memref_slice %arg3[%mul3A_29] : memref<327680xi32, #tpu.memory_space<hbm>> -> memref<128xi32, #tpu.memory_space<hbm>>
        tpu.enqueue_dma source(%dma_start3A_35 : memref<128xi32, #tpu.memory_space<hbm>>) target(%arg6 : memref<128xi32, #tpu.memory_space<vmem>>) target_semaphore(%run_scoped3A : memref<!tpu.dma_semaphore, #tpu.memory_space<semaphore_mem>>)
        %dma_wait3A_36 = tpu.memref_slice %arg3[%mul3A_29] : memref<327680xi32, #tpu.memory_space<hbm>> -> memref<128xi32, #tpu.memory_space<hbm>>
        %dma_wait3A_37 = tpu.memref_slice %arg3[%mul3A_29] : memref<327680xi32, #tpu.memory_space<hbm>> -> memref<128xi32, #tpu.memory_space<hbm>>
        tpu.wait_dma2 semaphore(%run_scoped3A : memref<!tpu.dma_semaphore, #tpu.memory_space<semaphore_mem>>) src(%dma_wait3A_37 : memref<128xi32, #tpu.memory_space<hbm>>) dst(%arg6 : memref<128xi32, #tpu.memory_space<vmem>>)
        tpu.yield
      }) : () -> ()
      "tpu.region"() ({
        %run_scoped3A = tpu.sem_alloc : memref<!tpu.dma_semaphore, #tpu.memory_space<semaphore_mem>>
        %dma_start3A_34 = tpu.memref_slice %arg4[%mul3A_29] : memref<327680xi32, #tpu.memory_space<hbm>> -> memref<128xi32, #tpu.memory_space<hbm>>
        %dma_start3A_35 = tpu.memref_slice %arg4[%mul3A_29] : memref<327680xi32, #tpu.memory_space<hbm>> -> memref<128xi32, #tpu.memory_space<hbm>>
        tpu.enqueue_dma source(%dma_start3A_35 : memref<128xi32, #tpu.memory_space<hbm>>) target(%arg8 : memref<128xi32, #tpu.memory_space<vmem>>) target_semaphore(%run_scoped3A : memref<!tpu.dma_semaphore, #tpu.memory_space<semaphore_mem>>)
        %dma_wait3A_36 = tpu.memref_slice %arg4[%mul3A_29] : memref<327680xi32, #tpu.memory_space<hbm>> -> memref<128xi32, #tpu.memory_space<hbm>>
        %dma_wait3A_37 = tpu.memref_slice %arg4[%mul3A_29] : memref<327680xi32, #tpu.memory_space<hbm>> -> memref<128xi32, #tpu.memory_space<hbm>>
        tpu.wait_dma2 semaphore(%run_scoped3A : memref<!tpu.dma_semaphore, #tpu.memory_space<semaphore_mem>>) src(%dma_wait3A_37 : memref<128xi32, #tpu.memory_space<hbm>>) dst(%arg8 : memref<128xi32, #tpu.memory_space<vmem>>)
        tpu.yield
      }) : () -> ()
      %dma_start3A = arith.constant 0 : i32
      %dma_start3A_30 = arith.constant 0 : i32
      %dma_start3A_31 = tpu.memref_slice %arg2[%dma_start3A, %dma_start3A_30] : memref<10000x128xf32, #tpu.memory_space<hbm>> -> memref<10000x128xf32, #tpu.memory_space<hbm>>
      tpu.enqueue_indirect_dma source(%dma_start3A_31 : memref<10000x128xf32, #tpu.memory_space<hbm>>) target(%arg10 : memref<128x128xf32, #tpu.memory_space<vmem>>) offsets(%arg6 : memref<128xi32, #tpu.memory_space<vmem>>) semaphore(%arg18 : memref<!tpu.dma_semaphore, #tpu.memory_space<semaphore_mem>>)
      %dma_wait3A = arith.constant 0 : i32
      %dma_wait3A_32 = arith.constant 0 : i32
      %dma_wait3A_33 = tpu.memref_slice %arg2[%dma_wait3A, %dma_wait3A_32] : memref<10000x128xf32, #tpu.memory_space<hbm>> -> memref<10000x128xf32, #tpu.memory_space<hbm>>
      tpu.wait_indirect_dma semaphore(%arg18 : memref<!tpu.dma_semaphore, #tpu.memory_space<semaphore_mem>>) src(%dma_wait3A_33 : memref<10000x128xf32, #tpu.memory_space<hbm>>) dst(%arg10 : memref<128x128xf32, #tpu.memory_space<vmem>>)
      "tpu.region"() ({
        %run_scoped3A = tpu.sem_alloc : memref<!tpu.dma_semaphore, #tpu.memory_space<semaphore_mem>>
        %dma_start3A_34 = arith.constant 0 : i32
        %dma_start3A_35 = arith.constant 0 : i32
        %dma_start3A_36 = tpu.memref_slice %arg13[%dma_start3A_34, %dma_start3A_35] : memref<10240x128xf32, #tpu.memory_space<vmem_shared>> -> memref<10240x128xf32, #tpu.memory_space<vmem_shared>>
        tpu.enqueue_indirect_dma source(%arg10 : memref<128x128xf32, #tpu.memory_space<vmem>>) target(%dma_start3A_36 : memref<10240x128xf32, #tpu.memory_space<vmem_shared>>) offsets(%arg8 : memref<128xi32, #tpu.memory_space<vmem>>) semaphore(%run_scoped3A : memref<!tpu.dma_semaphore, #tpu.memory_space<semaphore_mem>>) {add = true}
        %dma_wait3A_37 = arith.constant 0 : i32
        %dma_wait3A_38 = arith.constant 0 : i32
        %dma_wait3A_39 = tpu.memref_slice %arg13[%dma_wait3A_37, %dma_wait3A_38] : memref<10240x128xf32, #tpu.memory_space<vmem_shared>> -> memref<10240x128xf32, #tpu.memory_space<vmem_shared>>
        tpu.wait_indirect_dma semaphore(%run_scoped3A : memref<!tpu.dma_semaphore, #tpu.memory_space<semaphore_mem>>) src(%arg10 : memref<128x128xf32, #tpu.memory_space<vmem>>) dst(%dma_wait3A_39 : memref<10240x128xf32, #tpu.memory_space<vmem_shared>>)
        tpu.yield
      }) : () -> ()
    }
    %scan3A_20 = arith.constant 80 : i32
    %barrier3A_21 = arith.constant 0 : index
    tpu.barrier barrier_id(%barrier3A_21)
    %mul3A_22 = arith.constant 640 : i32
    %mul3A_23 = arith.muli %arg1, %mul3A_22 : i32
    %mul3A_24 = arith.constant 640 : i32
    %mul3A_25 = arith.muli %arg1, %mul3A_24 : i32
    "tpu.region"() ({
      %run_scoped3A = tpu.sem_alloc : memref<!tpu.dma_semaphore, #tpu.memory_space<semaphore_mem>>
      %dma_start3A = arith.constant 0 : i32
      %dma_start3A_26 = tpu.memref_slice %arg5[%arg0, %mul3A_25, %dma_start3A] : memref<2x10240x128xf32, #tpu.memory_space<hbm>> -> memref<1x640x128xf32, #tpu.memory_space<hbm>>
      %dma_start3A_27 = tpu.memref_squeeze %dma_start3A_26 : memref<1x640x128xf32, #tpu.memory_space<hbm>> -> memref<640x128xf32, #tpu.memory_space<hbm>>
      %dma_start3A_28 = arith.constant 0 : i32
      %dma_start3A_29 = tpu.memref_slice %arg13[%mul3A_23, %dma_start3A_28] : memref<10240x128xf32, #tpu.memory_space<vmem_shared>> -> memref<640x128xf32, #tpu.memory_space<vmem_shared>>
      tpu.enqueue_dma source(%dma_start3A_29 : memref<640x128xf32, #tpu.memory_space<vmem_shared>>) target(%dma_start3A_27 : memref<640x128xf32, #tpu.memory_space<hbm>>) target_semaphore(%run_scoped3A : memref<!tpu.dma_semaphore, #tpu.memory_space<semaphore_mem>>)
      %dma_wait3A = arith.constant 0 : i32
      %dma_wait3A_30 = tpu.memref_slice %arg5[%arg0, %mul3A_25, %dma_wait3A] : memref<2x10240x128xf32, #tpu.memory_space<hbm>> -> memref<1x640x128xf32, #tpu.memory_space<hbm>>
      %dma_wait3A_31 = tpu.memref_squeeze %dma_wait3A_30 : memref<1x640x128xf32, #tpu.memory_space<hbm>> -> memref<640x128xf32, #tpu.memory_space<hbm>>
      %dma_wait3A_32 = arith.constant 0 : i32
      %dma_wait3A_33 = tpu.memref_slice %arg13[%mul3A_23, %dma_wait3A_32] : memref<10240x128xf32, #tpu.memory_space<vmem_shared>> -> memref<640x128xf32, #tpu.memory_space<vmem_shared>>
      tpu.wait_dma2 semaphore(%run_scoped3A : memref<!tpu.dma_semaphore, #tpu.memory_space<semaphore_mem>>) src(%dma_wait3A_33 : memref<640x128xf32, #tpu.memory_space<vmem_shared>>) dst(%dma_wait3A_31 : memref<640x128xf32, #tpu.memory_space<hbm>>)
      tpu.yield
    }) : () -> ()
    return
  }
}

#map = affine_map<(d0, d1) -> (0)>
#map1 = affine_map<(d0, d1) -> (0, 0)>
module attributes {stable_mosaic.version = 14 : i64} {
  func.func @_sc_hist(%arg0: i32, %arg1: i32, %arg2: memref<327680xi32, #tpu.memory_space<hbm>>, %arg3: memref<2x10240xf32, #tpu.memory_space<hbm>>, %arg4: memref<128xi32, #tpu.memory_space<vmem>>, %arg5: memref<128xi32, #tpu.memory_space<vmem>>, %arg6: memref<128xf32, #tpu.memory_space<vmem>>, %arg7: memref<640xf32, #tpu.memory_space<vmem>>, %arg8: memref<10240xf32, #tpu.memory_space<vmem_shared>>, %arg9: memref<!tpu.dma_semaphore, #tpu.memory_space<semaphore_mem>>, %arg10: memref<!tpu.dma_semaphore, #tpu.memory_space<semaphore_mem>>, %arg11: memref<!tpu.dma_semaphore, #tpu.memory_space<semaphore_mem>>, %arg12: memref<!tpu.dma_semaphore, #tpu.memory_space<semaphore_mem>>) attributes {dimension_semantics = [#tpu.dimension_semantics<core_parallel>, #tpu.dimension_semantics<subcore_parallel>], iteration_bounds = array<i64: 2, 16>, scalar_prefetch = 0 : i64, scratch_operands = 9 : i64, tpu.core_type = #tpu.core_type<sc_vector_subcore>, window_params = [{transform_indices = #map}, {transform_indices = #map1}]} {
    %mul3A = arith.constant 16 : i32
    %mul3A_0 = arith.muli %arg0, %mul3A : i32
    %add3A = arith.addi %mul3A_0, %arg1 : i32
    %broadcast_in_dim3A = arith.constant 1.000000e+00 : f32
    %broadcast_in_dim3A_1 = vector.broadcast %broadcast_in_dim3A : f32 to vector<16xf32>
    %broadcast_in_dim3A_2 = arith.constant 0.000000e+00 : f32
    %broadcast_in_dim3A_3 = vector.broadcast %broadcast_in_dim3A_2 : f32 to vector<16xf32>
    %swap3A = arith.constant 0 : index
    %swap3A_4 = tpu.vector_load %arg6[%swap3A] {strides = array<i32>} : memref<128xf32, #tpu.memory_space<vmem>>, vector<16xf32>,
    %swap3A_5 = vector.shape_cast %swap3A_4 : vector<16xf32> to vector<16xf32>
    %swap3A_6 = vector.shape_cast %broadcast_in_dim3A_1 : vector<16xf32> to vector<16xf32>
    tpu.vector_store %arg6[%swap3A], %swap3A_6 {strides = array<i32>} : memref<128xf32, #tpu.memory_space<vmem>>, vector<16xf32>,
    %swap3A_7 = arith.constant 16 : index
    %swap3A_8 = tpu.vector_load %arg6[%swap3A_7] {strides = array<i32>} : memref<128xf32, #tpu.memory_space<vmem>>, vector<16xf32>,
    %swap3A_9 = vector.shape_cast %swap3A_8 : vector<16xf32> to vector<16xf32>
    %swap3A_10 = vector.shape_cast %broadcast_in_dim3A_1 : vector<16xf32> to vector<16xf32>
    tpu.vector_store %arg6[%swap3A_7], %swap3A_10 {strides = array<i32>} : memref<128xf32, #tpu.memory_space<vmem>>, vector<16xf32>,
    %swap3A_11 = arith.constant 32 : index
    %swap3A_12 = tpu.vector_load %arg6[%swap3A_11] {strides = array<i32>} : memref<128xf32, #tpu.memory_space<vmem>>, vector<16xf32>,
    %swap3A_13 = vector.shape_cast %swap3A_12 : vector<16xf32> to vector<16xf32>
    %swap3A_14 = vector.shape_cast %broadcast_in_dim3A_1 : vector<16xf32> to vector<16xf32>
    tpu.vector_store %arg6[%swap3A_11], %swap3A_14 {strides = array<i32>} : memref<128xf32, #tpu.memory_space<vmem>>, vector<16xf32>,
    %swap3A_15 = arith.constant 48 : index
    %swap3A_16 = tpu.vector_load %arg6[%swap3A_15] {strides = array<i32>} : memref<128xf32, #tpu.memory_space<vmem>>, vector<16xf32>,
    %swap3A_17 = vector.shape_cast %swap3A_16 : vector<16xf32> to vector<16xf32>
    %swap3A_18 = vector.shape_cast %broadcast_in_dim3A_1 : vector<16xf32> to vector<16xf32>
    tpu.vector_store %arg6[%swap3A_15], %swap3A_18 {strides = array<i32>} : memref<128xf32, #tpu.memory_space<vmem>>, vector<16xf32>,
    %swap3A_19 = arith.constant 64 : index
    %swap3A_20 = tpu.vector_load %arg6[%swap3A_19] {strides = array<i32>} : memref<128xf32, #tpu.memory_space<vmem>>, vector<16xf32>,
    %swap3A_21 = vector.shape_cast %swap3A_20 : vector<16xf32> to vector<16xf32>
    %swap3A_22 = vector.shape_cast %broadcast_in_dim3A_1 : vector<16xf32> to vector<16xf32>
    tpu.vector_store %arg6[%swap3A_19], %swap3A_22 {strides = array<i32>} : memref<128xf32, #tpu.memory_space<vmem>>, vector<16xf32>,
    %swap3A_23 = arith.constant 80 : index
    %swap3A_24 = tpu.vector_load %arg6[%swap3A_23] {strides = array<i32>} : memref<128xf32, #tpu.memory_space<vmem>>, vector<16xf32>,
    %swap3A_25 = vector.shape_cast %swap3A_24 : vector<16xf32> to vector<16xf32>
    %swap3A_26 = vector.shape_cast %broadcast_in_dim3A_1 : vector<16xf32> to vector<16xf32>
    tpu.vector_store %arg6[%swap3A_23], %swap3A_26 {strides = array<i32>} : memref<128xf32, #tpu.memory_space<vmem>>, vector<16xf32>,
    %swap3A_27 = arith.constant 96 : index
    %swap3A_28 = tpu.vector_load %arg6[%swap3A_27] {strides = array<i32>} : memref<128xf32, #tpu.memory_space<vmem>>, vector<16xf32>,
    %swap3A_29 = vector.shape_cast %swap3A_28 : vector<16xf32> to vector<16xf32>
    %swap3A_30 = vector.shape_cast %broadcast_in_dim3A_1 : vector<16xf32> to vector<16xf32>
    tpu.vector_store %arg6[%swap3A_27], %swap3A_30 {strides = array<i32>} : memref<128xf32, #tpu.memory_space<vmem>>, vector<16xf32>,
    %swap3A_31 = arith.constant 112 : index
    %swap3A_32 = tpu.vector_load %arg6[%swap3A_31] {strides = array<i32>} : memref<128xf32, #tpu.memory_space<vmem>>, vector<16xf32>,
    %swap3A_33 = vector.shape_cast %swap3A_32 : vector<16xf32> to vector<16xf32>
    %swap3A_34 = vector.shape_cast %broadcast_in_dim3A_1 : vector<16xf32> to vector<16xf32>
    tpu.vector_store %arg6[%swap3A_31], %swap3A_34 {strides = array<i32>} : memref<128xf32, #tpu.memory_space<vmem>>, vector<16xf32>,
    %scan3A = arith.constant 0 : i32
    %scan3A_35 = arith.constant 0 : i32
    %scan3A_36 = arith.constant 40 : i32
    %scan3A_37 = arith.addi %scan3A_35, %scan3A_36 : i32
    %scan3A_38 = arith.constant 1 : i32
    scf.for %scan3A_55 = %scan3A_35 to %scan3A_37 step %scan3A_38  : i32 {
      %mul3A_56 = arith.constant 16 : i32
      %mul3A_57 = arith.muli %scan3A_55, %mul3A_56 : i32
      %swap3A_58 = arith.index_cast %mul3A_57 : i32 to index
      %swap3A_59 = tpu.vector_load %arg7[%swap3A_58] {strides = array<i32>} : memref<640xf32, #tpu.memory_space<vmem>>, vector<16xf32>,
      %swap3A_60 = vector.shape_cast %swap3A_59 : vector<16xf32> to vector<16xf32>
      %swap3A_61 = vector.shape_cast %broadcast_in_dim3A_3 : vector<16xf32> to vector<16xf32>
      tpu.vector_store %arg7[%swap3A_58], %swap3A_61 {strides = array<i32>} : memref<640xf32, #tpu.memory_space<vmem>>, vector<16xf32>,
    }
    %scan3A_39 = arith.constant 40 : i32
    %mul3A_40 = arith.constant 640 : i32
    %mul3A_41 = arith.muli %arg1, %mul3A_40 : i32
    "tpu.region"() ({
      %run_scoped3A = tpu.sem_alloc : memref<!tpu.dma_semaphore, #tpu.memory_space<semaphore_mem>>
      %dma_start3A = tpu.memref_slice %arg8[%mul3A_41] : memref<10240xf32, #tpu.memory_space<vmem_shared>> -> memref<640xf32, #tpu.memory_space<vmem_shared>>
      %dma_start3A_55 = tpu.memref_slice %arg8[%mul3A_41] : memref<10240xf32, #tpu.memory_space<vmem_shared>> -> memref<640xf32, #tpu.memory_space<vmem_shared>>
      tpu.enqueue_dma source(%arg7 : memref<640xf32, #tpu.memory_space<vmem>>) target(%dma_start3A_55 : memref<640xf32, #tpu.memory_space<vmem_shared>>) target_semaphore(%run_scoped3A : memref<!tpu.dma_semaphore, #tpu.memory_space<semaphore_mem>>)
      %dma_wait3A = tpu.memref_slice %arg8[%mul3A_41] : memref<10240xf32, #tpu.memory_space<vmem_shared>> -> memref<640xf32, #tpu.memory_space<vmem_shared>>
      %dma_wait3A_56 = tpu.memref_slice %arg8[%mul3A_41] : memref<10240xf32, #tpu.memory_space<vmem_shared>> -> memref<640xf32, #tpu.memory_space<vmem_shared>>
      tpu.wait_dma2 semaphore(%run_scoped3A : memref<!tpu.dma_semaphore, #tpu.memory_space<semaphore_mem>>) src(%arg7 : memref<640xf32, #tpu.memory_space<vmem>>) dst(%dma_wait3A_56 : memref<640xf32, #tpu.memory_space<vmem_shared>>)
      tpu.yield
    }) : () -> ()
    %barrier3A = arith.constant 0 : index
    tpu.barrier barrier_id(%barrier3A)
    %mul3A_42 = arith.constant 80 : i32
    %mul3A_43 = arith.muli %add3A, %mul3A_42 : i32
    %scan3A_44 = arith.constant 0 : i32
    %scan3A_45 = arith.constant 0 : i32
    %scan3A_46 = arith.constant 80 : i32
    %scan3A_47 = arith.addi %scan3A_45, %scan3A_46 : i32
    %scan3A_48 = arith.constant 1 : i32
    scf.for %scan3A_55 = %scan3A_45 to %scan3A_47 step %scan3A_48  : i32 {
      %add3A_56 = arith.addi %mul3A_43, %scan3A_55 : i32
      %mul3A_57 = arith.constant 128 : i32
      %mul3A_58 = arith.muli %add3A_56, %mul3A_57 : i32
      "tpu.region"() ({
        %run_scoped3A = tpu.sem_alloc : memref<!tpu.dma_semaphore, #tpu.memory_space<semaphore_mem>>
        %dma_start3A = tpu.memref_slice %arg2[%mul3A_58] : memref<327680xi32, #tpu.memory_space<hbm>> -> memref<128xi32, #tpu.memory_space<hbm>>
        %dma_start3A_59 = tpu.memref_slice %arg2[%mul3A_58] : memref<327680xi32, #tpu.memory_space<hbm>> -> memref<128xi32, #tpu.memory_space<hbm>>
        tpu.enqueue_dma source(%dma_start3A_59 : memref<128xi32, #tpu.memory_space<hbm>>) target(%arg4 : memref<128xi32, #tpu.memory_space<vmem>>) target_semaphore(%run_scoped3A : memref<!tpu.dma_semaphore, #tpu.memory_space<semaphore_mem>>)
        %dma_wait3A = tpu.memref_slice %arg2[%mul3A_58] : memref<327680xi32, #tpu.memory_space<hbm>> -> memref<128xi32, #tpu.memory_space<hbm>>
        %dma_wait3A_60 = tpu.memref_slice %arg2[%mul3A_58] : memref<327680xi32, #tpu.memory_space<hbm>> -> memref<128xi32, #tpu.memory_space<hbm>>
        tpu.wait_dma2 semaphore(%run_scoped3A : memref<!tpu.dma_semaphore, #tpu.memory_space<semaphore_mem>>) src(%dma_wait3A_60 : memref<128xi32, #tpu.memory_space<hbm>>) dst(%arg4 : memref<128xi32, #tpu.memory_space<vmem>>)
        tpu.yield
      }) : () -> ()
      "tpu.region"() ({
        %run_scoped3A = tpu.sem_alloc : memref<!tpu.dma_semaphore, #tpu.memory_space<semaphore_mem>>
        %dma_start3A = arith.constant 0 : i32
        %dma_start3A_59 = tpu.memref_slice %arg8[%dma_start3A] : memref<10240xf32, #tpu.memory_space<vmem_shared>> -> memref<10240xf32, #tpu.memory_space<vmem_shared>>
        tpu.enqueue_indirect_dma source(%arg6 : memref<128xf32, #tpu.memory_space<vmem>>) target(%dma_start3A_59 : memref<10240xf32, #tpu.memory_space<vmem_shared>>) offsets(%arg4 : memref<128xi32, #tpu.memory_space<vmem>>) semaphore(%run_scoped3A : memref<!tpu.dma_semaphore, #tpu.memory_space<semaphore_mem>>) {add = true}
        %dma_wait3A = arith.constant 0 : i32
        %dma_wait3A_60 = tpu.memref_slice %arg8[%dma_wait3A] : memref<10240xf32, #tpu.memory_space<vmem_shared>> -> memref<10240xf32, #tpu.memory_space<vmem_shared>>
        tpu.wait_indirect_dma semaphore(%run_scoped3A : memref<!tpu.dma_semaphore, #tpu.memory_space<semaphore_mem>>) src(%arg6 : memref<128xf32, #tpu.memory_space<vmem>>) dst(%dma_wait3A_60 : memref<10240xf32, #tpu.memory_space<vmem_shared>>)
        tpu.yield
      }) : () -> ()
    }
    %scan3A_49 = arith.constant 80 : i32
    %barrier3A_50 = arith.constant 0 : index
    tpu.barrier barrier_id(%barrier3A_50)
    %mul3A_51 = arith.constant 640 : i32
    %mul3A_52 = arith.muli %arg1, %mul3A_51 : i32
    %mul3A_53 = arith.constant 640 : i32
    %mul3A_54 = arith.muli %arg1, %mul3A_53 : i32
    "tpu.region"() ({
      %run_scoped3A = tpu.sem_alloc : memref<!tpu.dma_semaphore, #tpu.memory_space<semaphore_mem>>
      %dma_start3A = tpu.memref_slice %arg3[%arg0, %mul3A_54] : memref<2x10240xf32, #tpu.memory_space<hbm>> -> memref<1x640xf32, #tpu.memory_space<hbm>>
      %dma_start3A_55 = tpu.memref_squeeze %dma_start3A : memref<1x640xf32, #tpu.memory_space<hbm>> -> memref<640xf32, #tpu.memory_space<hbm>>
      %dma_start3A_56 = tpu.memref_slice %arg8[%mul3A_52] : memref<10240xf32, #tpu.memory_space<vmem_shared>> -> memref<640xf32, #tpu.memory_space<vmem_shared>>
      tpu.enqueue_dma source(%dma_start3A_56 : memref<640xf32, #tpu.memory_space<vmem_shared>>) target(%dma_start3A_55 : memref<640xf32, #tpu.memory_space<hbm>>) target_semaphore(%run_scoped3A : memref<!tpu.dma_semaphore, #tpu.memory_space<semaphore_mem>>)
      %dma_wait3A = tpu.memref_slice %arg3[%arg0, %mul3A_54] : memref<2x10240xf32, #tpu.memory_space<hbm>> -> memref<1x640xf32, #tpu.memory_space<hbm>>
      %dma_wait3A_57 = tpu.memref_squeeze %dma_wait3A : memref<1x640xf32, #tpu.memory_space<hbm>> -> memref<640xf32, #tpu.memory_space<hbm>>
      %dma_wait3A_58 = tpu.memref_slice %arg8[%mul3A_52] : memref<10240xf32, #tpu.memory_space<vmem_shared>> -> memref<640xf32, #tpu.memory_space<vmem_shared>>
      tpu.wait_dma2 semaphore(%run_scoped3A : memref<!tpu.dma_semaphore, #tpu.memory_space<semaphore_mem>>) src(%dma_wait3A_58 : memref<640xf32, #tpu.memory_space<vmem_shared>>) dst(%dma_wait3A_57 : memref<640xf32, #tpu.memory_space<hbm>>)
      tpu.yield
    }) : () -> ()
    return
  }
}

#map = affine_map<(d0, d1) -> (0, 0)>
#map1 = affine_map<(d0, d1) -> (0)>
#map2 = affine_map<(d0, d1) -> (0, 0, 0)>
module attributes {stable_mosaic.version = 14 : i64} {
  func.func @_sc_agg(%arg0: i32, %arg1: i32, %arg2: memref<10000x128xf32, #tpu.memory_space<hbm>>, %arg3: memref<327680xi32, #tpu.memory_space<hbm>>, %arg4: memref<327680xi32, #tpu.memory_space<hbm>>, %arg5: memref<2x10240x128xf32, #tpu.memory_space<hbm>>, %arg6: memref<128xi32, #tpu.memory_space<vmem>>, %arg7: memref<128xi32, #tpu.memory_space<vmem>>, %arg8: memref<128xi32, #tpu.memory_space<vmem>>, %arg9: memref<128xi32, #tpu.memory_space<vmem>>, %arg10: memref<128x128xf32, #tpu.memory_space<vmem>>, %arg11: memref<128x128xf32, #tpu.memory_space<vmem>>, %arg12: memref<16x128xf32, #tpu.memory_space<vmem>>, %arg13: memref<10240x128xf32, #tpu.memory_space<vmem_shared>>, %arg14: memref<!tpu.dma_semaphore, #tpu.memory_space<semaphore_mem>>, %arg15: memref<!tpu.dma_semaphore, #tpu.memory_space<semaphore_mem>>, %arg16: memref<!tpu.dma_semaphore, #tpu.memory_space<semaphore_mem>>, %arg17: memref<!tpu.dma_semaphore, #tpu.memory_space<semaphore_mem>>, %arg18: memref<!tpu.dma_semaphore, #tpu.memory_space<semaphore_mem>>, %arg19: memref<!tpu.dma_semaphore, #tpu.memory_space<semaphore_mem>>, %arg20: memref<!tpu.dma_semaphore, #tpu.memory_space<semaphore_mem>>, %arg21: memref<!tpu.dma_semaphore, #tpu.memory_space<semaphore_mem>>) attributes {dimension_semantics = [#tpu.dimension_semantics<core_parallel>, #tpu.dimension_semantics<subcore_parallel>], iteration_bounds = array<i64: 2, 16>, scalar_prefetch = 0 : i64, scratch_operands = 16 : i64, tpu.core_type = #tpu.core_type<sc_vector_subcore>, window_params = [{transform_indices = #map}, {transform_indices = #map1}, {transform_indices = #map1}, {transform_indices = #map2}]} {
    %mul3A = arith.constant 16 : i32
    %mul3A_0 = arith.muli %arg0, %mul3A : i32
    %add3A = arith.addi %mul3A_0, %arg1 : i32
    %broadcast_in_dim3A = arith.constant 0.000000e+00 : f32
    %broadcast_in_dim3A_1 = vector.broadcast %broadcast_in_dim3A : f32 to vector<16xf32>
    %scan3A = arith.constant 0 : i32
    %scan3A_2 = arith.constant 0 : i32
    %scan3A_3 = arith.constant 16 : i32
    %scan3A_4 = arith.addi %scan3A_2, %scan3A_3 : i32
    %scan3A_5 = arith.constant 1 : i32
    scf.for %scan3A_26 = %scan3A_2 to %scan3A_4 step %scan3A_5  : i32 {
      %swap3A = arith.index_cast %scan3A_26 : i32 to index
      %swap3A_27 = arith.constant 0 : index
      %swap3A_28 = tpu.vector_load %arg12[%swap3A, %swap3A_27] {strides = array<i32>} : memref<16x128xf32, #tpu.memory_space<vmem>>, vector<1x16xf32>,
      %swap3A_29 = vector.shape_cast %swap3A_28 : vector<1x16xf32> to vector<16xf32>
      %swap3A_30 = vector.shape_cast %broadcast_in_dim3A_1 : vector<16xf32> to vector<1x16xf32>
      tpu.vector_store %arg12[%swap3A, %swap3A_27], %swap3A_30 {strides = array<i32>} : memref<16x128xf32, #tpu.memory_space<vmem>>, vector<1x16xf32>,
      %swap3A_31 = arith.index_cast %scan3A_26 : i32 to index
      %swap3A_32 = arith.constant 16 : index
      %swap3A_33 = tpu.vector_load %arg12[%swap3A_31, %swap3A_32] {strides = array<i32>} : memref<16x128xf32, #tpu.memory_space<vmem>>, vector<1x16xf32>,
      %swap3A_34 = vector.shape_cast %swap3A_33 : vector<1x16xf32> to vector<16xf32>
      %swap3A_35 = vector.shape_cast %broadcast_in_dim3A_1 : vector<16xf32> to vector<1x16xf32>
      tpu.vector_store %arg12[%swap3A_31, %swap3A_32], %swap3A_35 {strides = array<i32>} : memref<16x128xf32, #tpu.memory_space<vmem>>, vector<1x16xf32>,
      %swap3A_36 = arith.index_cast %scan3A_26 : i32 to index
      %swap3A_37 = arith.constant 32 : index
      %swap3A_38 = tpu.vector_load %arg12[%swap3A_36, %swap3A_37] {strides = array<i32>} : memref<16x128xf32, #tpu.memory_space<vmem>>, vector<1x16xf32>,
      %swap3A_39 = vector.shape_cast %swap3A_38 : vector<1x16xf32> to vector<16xf32>
      %swap3A_40 = vector.shape_cast %broadcast_in_dim3A_1 : vector<16xf32> to vector<1x16xf32>
      tpu.vector_store %arg12[%swap3A_36, %swap3A_37], %swap3A_40 {strides = array<i32>} : memref<16x128xf32, #tpu.memory_space<vmem>>, vector<1x16xf32>,
      %swap3A_41 = arith.index_cast %scan3A_26 : i32 to index
      %swap3A_42 = arith.constant 48 : index
      %swap3A_43 = tpu.vector_load %arg12[%swap3A_41, %swap3A_42] {strides = array<i32>} : memref<16x128xf32, #tpu.memory_space<vmem>>, vector<1x16xf32>,
      %swap3A_44 = vector.shape_cast %swap3A_43 : vector<1x16xf32> to vector<16xf32>
      %swap3A_45 = vector.shape_cast %broadcast_in_dim3A_1 : vector<16xf32> to vector<1x16xf32>
      tpu.vector_store %arg12[%swap3A_41, %swap3A_42], %swap3A_45 {strides = array<i32>} : memref<16x128xf32, #tpu.memory_space<vmem>>, vector<1x16xf32>,
      %swap3A_46 = arith.index_cast %scan3A_26 : i32 to index
      %swap3A_47 = arith.constant 64 : index
      %swap3A_48 = tpu.vector_load %arg12[%swap3A_46, %swap3A_47] {strides = array<i32>} : memref<16x128xf32, #tpu.memory_space<vmem>>, vector<1x16xf32>,
      %swap3A_49 = vector.shape_cast %swap3A_48 : vector<1x16xf32> to vector<16xf32>
      %swap3A_50 = vector.shape_cast %broadcast_in_dim3A_1 : vector<16xf32> to vector<1x16xf32>
      tpu.vector_store %arg12[%swap3A_46, %swap3A_47], %swap3A_50 {strides = array<i32>} : memref<16x128xf32, #tpu.memory_space<vmem>>, vector<1x16xf32>,
      %swap3A_51 = arith.index_cast %scan3A_26 : i32 to index
      %swap3A_52 = arith.constant 80 : index
      %swap3A_53 = tpu.vector_load %arg12[%swap3A_51, %swap3A_52] {strides = array<i32>} : memref<16x128xf32, #tpu.memory_space<vmem>>, vector<1x16xf32>,
      %swap3A_54 = vector.shape_cast %swap3A_53 : vector<1x16xf32> to vector<16xf32>
      %swap3A_55 = vector.shape_cast %broadcast_in_dim3A_1 : vector<16xf32> to vector<1x16xf32>
      tpu.vector_store %arg12[%swap3A_51, %swap3A_52], %swap3A_55 {strides = array<i32>} : memref<16x128xf32, #tpu.memory_space<vmem>>, vector<1x16xf32>,
      %swap3A_56 = arith.index_cast %scan3A_26 : i32 to index
      %swap3A_57 = arith.constant 96 : index
      %swap3A_58 = tpu.vector_load %arg12[%swap3A_56, %swap3A_57] {strides = array<i32>} : memref<16x128xf32, #tpu.memory_space<vmem>>, vector<1x16xf32>,
      %swap3A_59 = vector.shape_cast %swap3A_58 : vector<1x16xf32> to vector<16xf32>
      %swap3A_60 = vector.shape_cast %broadcast_in_dim3A_1 : vector<16xf32> to vector<1x16xf32>
      tpu.vector_store %arg12[%swap3A_56, %swap3A_57], %swap3A_60 {strides = array<i32>} : memref<16x128xf32, #tpu.memory_space<vmem>>, vector<1x16xf32>,
      %swap3A_61 = arith.index_cast %scan3A_26 : i32 to index
      %swap3A_62 = arith.constant 112 : index
      %swap3A_63 = tpu.vector_load %arg12[%swap3A_61, %swap3A_62] {strides = array<i32>} : memref<16x128xf32, #tpu.memory_space<vmem>>, vector<1x16xf32>,
      %swap3A_64 = vector.shape_cast %swap3A_63 : vector<1x16xf32> to vector<16xf32>
      %swap3A_65 = vector.shape_cast %broadcast_in_dim3A_1 : vector<16xf32> to vector<1x16xf32>
      tpu.vector_store %arg12[%swap3A_61, %swap3A_62], %swap3A_65 {strides = array<i32>} : memref<16x128xf32, #tpu.memory_space<vmem>>, vector<1x16xf32>,
    }
    %scan3A_6 = arith.constant 16 : i32
    %scan3A_7 = arith.constant 0 : i32
    %scan3A_8 = arith.constant 0 : i32
    %scan3A_9 = arith.constant 40 : i32
    %scan3A_10 = arith.addi %scan3A_8, %scan3A_9 : i32
    %scan3A_11 = arith.constant 1 : i32
    scf.for %scan3A_26 = %scan3A_8 to %scan3A_10 step %scan3A_11  : i32 {
      %mul3A_27 = arith.constant 640 : i32
      %mul3A_28 = arith.muli %arg1, %mul3A_27 : i32
      %mul3A_29 = arith.constant 16 : i32
      %mul3A_30 = arith.muli %scan3A_26, %mul3A_29 : i32
      %add3A_31 = arith.addi %mul3A_28, %mul3A_30 : i32
      "tpu.region"() ({
        %run_scoped3A = tpu.sem_alloc : memref<!tpu.dma_semaphore, #tpu.memory_space<semaphore_mem>>
        %dma_start3A = arith.constant 0 : i32
        %dma_start3A_32 = tpu.memref_slice %arg13[%add3A_31, %dma_start3A] : memref<10240x128xf32, #tpu.memory_space<vmem_shared>> -> memref<16x128xf32, #tpu.memory_space<vmem_shared>>
        %dma_start3A_33 = arith.constant 0 : i32
        %dma_start3A_34 = tpu.memref_slice %arg13[%add3A_31, %dma_start3A_33] : memref<10240x128xf32, #tpu.memory_space<vmem_shared>> -> memref<16x128xf32, #tpu.memory_space<vmem_shared>>
        tpu.enqueue_dma source(%arg12 : memref<16x128xf32, #tpu.memory_space<vmem>>) target(%dma_start3A_34 : memref<16x128xf32, #tpu.memory_space<vmem_shared>>) target_semaphore(%run_scoped3A : memref<!tpu.dma_semaphore, #tpu.memory_space<semaphore_mem>>)
        %dma_wait3A = arith.constant 0 : i32
        %dma_wait3A_35 = tpu.memref_slice %arg13[%add3A_31, %dma_wait3A] : memref<10240x128xf32, #tpu.memory_space<vmem_shared>> -> memref<16x128xf32, #tpu.memory_space<vmem_shared>>
        %dma_wait3A_36 = arith.constant 0 : i32
        %dma_wait3A_37 = tpu.memref_slice %arg13[%add3A_31, %dma_wait3A_36] : memref<10240x128xf32, #tpu.memory_space<vmem_shared>> -> memref<16x128xf32, #tpu.memory_space<vmem_shared>>
        tpu.wait_dma2 semaphore(%run_scoped3A : memref<!tpu.dma_semaphore, #tpu.memory_space<semaphore_mem>>) src(%arg12 : memref<16x128xf32, #tpu.memory_space<vmem>>) dst(%dma_wait3A_37 : memref<16x128xf32, #tpu.memory_space<vmem_shared>>)
        tpu.yield
      }) : () -> ()
    }
    %scan3A_12 = arith.constant 40 : i32
    %barrier3A = arith.constant 0 : index
    tpu.barrier barrier_id(%barrier3A)
    %mul3A_13 = arith.constant 80 : i32
    %mul3A_14 = arith.muli %add3A, %mul3A_13 : i32
    %scan3A_15 = arith.constant 0 : i32
    %scan3A_16 = arith.constant 0 : i32
    %scan3A_17 = arith.constant 80 : i32
    %scan3A_18 = arith.addi %scan3A_16, %scan3A_17 : i32
    %scan3A_19 = arith.constant 1 : i32
    scf.for %scan3A_26 = %scan3A_16 to %scan3A_18 step %scan3A_19  : i32 {
      %add3A_27 = arith.addi %mul3A_14, %scan3A_26 : i32
      %mul3A_28 = arith.constant 128 : i32
      %mul3A_29 = arith.muli %add3A_27, %mul3A_28 : i32
      "tpu.region"() ({
        %run_scoped3A = tpu.sem_alloc : memref<!tpu.dma_semaphore, #tpu.memory_space<semaphore_mem>>
        %dma_start3A_34 = tpu.memref_slice %arg3[%mul3A_29] : memref<327680xi32, #tpu.memory_space<hbm>> -> memref<128xi32, #tpu.memory_space<hbm>>
        %dma_start3A_35 = tpu.memref_slice %arg3[%mul3A_29] : memref<327680xi32, #tpu.memory_space<hbm>> -> memref<128xi32, #tpu.memory_space<hbm>>
        tpu.enqueue_dma source(%dma_start3A_35 : memref<128xi32, #tpu.memory_space<hbm>>) target(%arg6 : memref<128xi32, #tpu.memory_space<vmem>>) target_semaphore(%run_scoped3A : memref<!tpu.dma_semaphore, #tpu.memory_space<semaphore_mem>>)
        %dma_wait3A_36 = tpu.memref_slice %arg3[%mul3A_29] : memref<327680xi32, #tpu.memory_space<hbm>> -> memref<128xi32, #tpu.memory_space<hbm>>
        %dma_wait3A_37 = tpu.memref_slice %arg3[%mul3A_29] : memref<327680xi32, #tpu.memory_space<hbm>> -> memref<128xi32, #tpu.memory_space<hbm>>
        tpu.wait_dma2 semaphore(%run_scoped3A : memref<!tpu.dma_semaphore, #tpu.memory_space<semaphore_mem>>) src(%dma_wait3A_37 : memref<128xi32, #tpu.memory_space<hbm>>) dst(%arg6 : memref<128xi32, #tpu.memory_space<vmem>>)
        tpu.yield
      }) : () -> ()
      "tpu.region"() ({
        %run_scoped3A = tpu.sem_alloc : memref<!tpu.dma_semaphore, #tpu.memory_space<semaphore_mem>>
        %dma_start3A_34 = tpu.memref_slice %arg4[%mul3A_29] : memref<327680xi32, #tpu.memory_space<hbm>> -> memref<128xi32, #tpu.memory_space<hbm>>
        %dma_start3A_35 = tpu.memref_slice %arg4[%mul3A_29] : memref<327680xi32, #tpu.memory_space<hbm>> -> memref<128xi32, #tpu.memory_space<hbm>>
        tpu.enqueue_dma source(%dma_start3A_35 : memref<128xi32, #tpu.memory_space<hbm>>) target(%arg8 : memref<128xi32, #tpu.memory_space<vmem>>) target_semaphore(%run_scoped3A : memref<!tpu.dma_semaphore, #tpu.memory_space<semaphore_mem>>)
        %dma_wait3A_36 = tpu.memref_slice %arg4[%mul3A_29] : memref<327680xi32, #tpu.memory_space<hbm>> -> memref<128xi32, #tpu.memory_space<hbm>>
        %dma_wait3A_37 = tpu.memref_slice %arg4[%mul3A_29] : memref<327680xi32, #tpu.memory_space<hbm>> -> memref<128xi32, #tpu.memory_space<hbm>>
        tpu.wait_dma2 semaphore(%run_scoped3A : memref<!tpu.dma_semaphore, #tpu.memory_space<semaphore_mem>>) src(%dma_wait3A_37 : memref<128xi32, #tpu.memory_space<hbm>>) dst(%arg8 : memref<128xi32, #tpu.memory_space<vmem>>)
        tpu.yield
      }) : () -> ()
      %dma_start3A = arith.constant 0 : i32
      %dma_start3A_30 = arith.constant 0 : i32
      %dma_start3A_31 = tpu.memref_slice %arg2[%dma_start3A, %dma_start3A_30] : memref<10000x128xf32, #tpu.memory_space<hbm>> -> memref<10000x128xf32, #tpu.memory_space<hbm>>
      tpu.enqueue_indirect_dma source(%dma_start3A_31 : memref<10000x128xf32, #tpu.memory_space<hbm>>) target(%arg10 : memref<128x128xf32, #tpu.memory_space<vmem>>) offsets(%arg6 : memref<128xi32, #tpu.memory_space<vmem>>) semaphore(%arg18 : memref<!tpu.dma_semaphore, #tpu.memory_space<semaphore_mem>>)
      %dma_wait3A = arith.constant 0 : i32
      %dma_wait3A_32 = arith.constant 0 : i32
      %dma_wait3A_33 = tpu.memref_slice %arg2[%dma_wait3A, %dma_wait3A_32] : memref<10000x128xf32, #tpu.memory_space<hbm>> -> memref<10000x128xf32, #tpu.memory_space<hbm>>
      tpu.wait_indirect_dma semaphore(%arg18 : memref<!tpu.dma_semaphore, #tpu.memory_space<semaphore_mem>>) src(%dma_wait3A_33 : memref<10000x128xf32, #tpu.memory_space<hbm>>) dst(%arg10 : memref<128x128xf32, #tpu.memory_space<vmem>>)
      "tpu.region"() ({
        %run_scoped3A = tpu.sem_alloc : memref<!tpu.dma_semaphore, #tpu.memory_space<semaphore_mem>>
        %dma_start3A_34 = arith.constant 0 : i32
        %dma_start3A_35 = arith.constant 0 : i32
        %dma_start3A_36 = tpu.memref_slice %arg13[%dma_start3A_34, %dma_start3A_35] : memref<10240x128xf32, #tpu.memory_space<vmem_shared>> -> memref<10240x128xf32, #tpu.memory_space<vmem_shared>>
        tpu.enqueue_indirect_dma source(%arg10 : memref<128x128xf32, #tpu.memory_space<vmem>>) target(%dma_start3A_36 : memref<10240x128xf32, #tpu.memory_space<vmem_shared>>) offsets(%arg8 : memref<128xi32, #tpu.memory_space<vmem>>) semaphore(%run_scoped3A : memref<!tpu.dma_semaphore, #tpu.memory_space<semaphore_mem>>) {add = true}
        %dma_wait3A_37 = arith.constant 0 : i32
        %dma_wait3A_38 = arith.constant 0 : i32
        %dma_wait3A_39 = tpu.memref_slice %arg13[%dma_wait3A_37, %dma_wait3A_38] : memref<10240x128xf32, #tpu.memory_space<vmem_shared>> -> memref<10240x128xf32, #tpu.memory_space<vmem_shared>>
        tpu.wait_indirect_dma semaphore(%run_scoped3A : memref<!tpu.dma_semaphore, #tpu.memory_space<semaphore_mem>>) src(%arg10 : memref<128x128xf32, #tpu.memory_space<vmem>>) dst(%dma_wait3A_39 : memref<10240x128xf32, #tpu.memory_space<vmem_shared>>)
        tpu.yield
      }) : () -> ()
    }
    %scan3A_20 = arith.constant 80 : i32
    %barrier3A_21 = arith.constant 0 : index
    tpu.barrier barrier_id(%barrier3A_21)
    %mul3A_22 = arith.constant 640 : i32
    %mul3A_23 = arith.muli %arg1, %mul3A_22 : i32
    %mul3A_24 = arith.constant 640 : i32
    %mul3A_25 = arith.muli %arg1, %mul3A_24 : i32
    "tpu.region"() ({
      %run_scoped3A = tpu.sem_alloc : memref<!tpu.dma_semaphore, #tpu.memory_space<semaphore_mem>>
      %dma_start3A = arith.constant 0 : i32
      %dma_start3A_26 = tpu.memref_slice %arg5[%arg0, %mul3A_25, %dma_start3A] : memref<2x10240x128xf32, #tpu.memory_space<hbm>> -> memref<1x640x128xf32, #tpu.memory_space<hbm>>
      %dma_start3A_27 = tpu.memref_squeeze %dma_start3A_26 : memref<1x640x128xf32, #tpu.memory_space<hbm>> -> memref<640x128xf32, #tpu.memory_space<hbm>>
      %dma_start3A_28 = arith.constant 0 : i32
      %dma_start3A_29 = tpu.memref_slice %arg13[%mul3A_23, %dma_start3A_28] : memref<10240x128xf32, #tpu.memory_space<vmem_shared>> -> memref<640x128xf32, #tpu.memory_space<vmem_shared>>
      tpu.enqueue_dma source(%dma_start3A_29 : memref<640x128xf32, #tpu.memory_space<vmem_shared>>) target(%dma_start3A_27 : memref<640x128xf32, #tpu.memory_space<hbm>>) target_semaphore(%run_scoped3A : memref<!tpu.dma_semaphore, #tpu.memory_space<semaphore_mem>>)
      %dma_wait3A = arith.constant 0 : i32
      %dma_wait3A_30 = tpu.memref_slice %arg5[%arg0, %mul3A_25, %dma_wait3A] : memref<2x10240x128xf32, #tpu.memory_space<hbm>> -> memref<1x640x128xf32, #tpu.memory_space<hbm>>
      %dma_wait3A_31 = tpu.memref_squeeze %dma_wait3A_30 : memref<1x640x128xf32, #tpu.memory_space<hbm>> -> memref<640x128xf32, #tpu.memory_space<hbm>>
      %dma_wait3A_32 = arith.constant 0 : i32
      %dma_wait3A_33 = tpu.memref_slice %arg13[%mul3A_23, %dma_wait3A_32] : memref<10240x128xf32, #tpu.memory_space<vmem_shared>> -> memref<640x128xf32, #tpu.memory_space<vmem_shared>>
      tpu.wait_dma2 semaphore(%run_scoped3A : memref<!tpu.dma_semaphore, #tpu.memory_space<semaphore_mem>>) src(%dma_wait3A_33 : memref<640x128xf32, #tpu.memory_space<vmem_shared>>) dst(%dma_wait3A_31 : memref<640x128xf32, #tpu.memory_space<hbm>>)
      tpu.yield
    }) : () -> ()
    return
  }
}

module attributes {stable_mosaic.version = 14 : i64} {
  func.func @body(%arg0: memref<10240x128xf32, #tpu.memory_space<vmem>>, %arg1: memref<2x10240x128xf32, #tpu.memory_space<vmem>>, %arg2: memref<10000x128xf32, #tpu.memory_space<vmem>>, %arg3: memref<1x128xf32, #tpu.memory_space<vmem>>, %arg4: memref<128x128xf32, #tpu.memory_space<vmem>>, %arg5: memref<10000x128xf32, #tpu.memory_space<vmem>>) attributes {dimension_semantics = [], scalar_prefetch = 0 : i64, scratch_operands = 0 : i64, tpu.core_type = #tpu.core_type<tc>} {
    %get3A = arith.constant 0 : index
    %get3A_0 = arith.constant 0 : index
    %get3A_1 = vector.load %arg0[%get3A, %get3A_0] : memref<10240x128xf32, #tpu.memory_space<vmem>>, vector<10240x128xf32>
    %slice3A = vector.extract_strided_slice %get3A_1 {offsets = [0, 0], sizes = [10000, 128], strides = [1, 1]} : vector<10240x128xf32> to vector<10000x128xf32>
    %get3A_2 = arith.constant 0 : index
    %get3A_3 = arith.constant 0 : index
    %get3A_4 = arith.constant 0 : index
    %get3A_5 = vector.load %arg1[%get3A_2, %get3A_3, %get3A_4] : memref<2x10240x128xf32, #tpu.memory_space<vmem>>, vector<1x10000x128xf32>
    %get3A_6 = vector.shape_cast %get3A_5 : vector<1x10000x128xf32> to vector<10000x128xf32>
    %get3A_7 = arith.constant 1 : index
    %get3A_8 = arith.constant 0 : index
    %get3A_9 = arith.constant 0 : index
    %get3A_10 = vector.load %arg1[%get3A_7, %get3A_8, %get3A_9] : memref<2x10240x128xf32, #tpu.memory_space<vmem>>, vector<1x10000x128xf32>
    %get3A_11 = vector.shape_cast %get3A_10 : vector<1x10000x128xf32> to vector<10000x128xf32>
    %add3A = arith.addf %get3A_6, %get3A_11 : vector<10000x128xf32>
    %get3A_12 = arith.constant 0 : index
    %get3A_13 = arith.constant 0 : index
    %get3A_14 = vector.load %arg2[%get3A_12, %get3A_13] : memref<10000x128xf32, #tpu.memory_space<vmem>>, vector<10000x128xf32>
    %add3A_15 = arith.addf %add3A, %get3A_14 : vector<10000x128xf32>
    %mul3A = arith.mulf %slice3A, %add3A_15 : vector<10000x128xf32>
    %get3A_16 = arith.constant 0 : index
    %get3A_17 = arith.constant 0 : index
    %get3A_18 = vector.load %arg3[%get3A_16, %get3A_17] : memref<1x128xf32, #tpu.memory_space<vmem>>, vector<1x128xf32>
    %add3A_19 = vector.broadcast %get3A_18 : vector<1x128xf32> to vector<10000x128xf32>
    %add3A_20 = arith.addf %mul3A, %add3A_19 : vector<10000x128xf32>
    %max3A = arith.constant 0.000000e+00 : f32
    %max3A_21 = vector.broadcast %max3A : f32 to vector<10000x128xf32>
    %max3A_22 = arith.maximumf %add3A_20, %max3A_21 : vector<10000x128xf32>
    %get3A_23 = arith.constant 0 : index
    %get3A_24 = arith.constant 0 : index
    %get3A_25 = vector.load %arg4[%get3A_23, %get3A_24] : memref<128x128xf32, #tpu.memory_space<vmem>>, vector<128x128xf32>
    %dot_general3A = arith.constant dense<0.000000e+00> : vector<10000x128xf32>
    %dot_general3A_26 = tpu.matmul %max3A_22, %get3A_25, %dot_general3A {dimension_numbers = #tpu.dot_dimension_numbers<[1], [0], [0], [1], [0, 0, 1, 1], [], []>, transpose_lhs_hint = false} : vector<10000x128xf32>, vector<128x128xf32>, vector<10000x128xf32> -> vector<10000x128xf32>
    %mul3A_27 = arith.mulf %dot_general3A_26, %slice3A : vector<10000x128xf32>
    %swap3A = arith.constant 0 : index
    %swap3A_28 = arith.constant 0 : index
    %swap3A_29 = vector.load %arg5[%swap3A, %swap3A_28] : memref<10000x128xf32, #tpu.memory_space<vmem>>, vector<10000x128xf32>
    tpu.vector_store %arg5[%swap3A, %swap3A_28], %mul3A_27 {strides = array<i32>} : memref<10000x128xf32, #tpu.memory_space<vmem>>, vector<10000x128xf32>,
    return
  }
}

module attributes {stable_mosaic.version = 14 : i64} {
  func.func @body(%arg0: memref<2x10240xf32, #tpu.memory_space<vmem>>, %arg1: memref<10000x128xf32, #tpu.memory_space<vmem>>, %arg2: memref<128x128xf32, #tpu.memory_space<vmem>>, %arg3: memref<10000x128xf32, #tpu.memory_space<vmem>>, %arg4: memref<10240x128xf32, #tpu.memory_space<vmem>>) attributes {dimension_semantics = [], scalar_prefetch = 0 : i64, scratch_operands = 0 : i64, tpu.core_type = #tpu.core_type<tc>} {
    %get3A = arith.constant 0 : index
    %get3A_0 = arith.constant 0 : index
    %get3A_1 = vector.load %arg0[%get3A, %get3A_0] : memref<2x10240xf32, #tpu.memory_space<vmem>>, vector<2x10240xf32>
    %slice3A = vector.extract_strided_slice %get3A_1 {offsets = [0, 0], sizes = [1, 10240], strides = [1, 1]} : vector<2x10240xf32> to vector<1x10240xf32>
    %slice3A_2 = vector.extract_strided_slice %get3A_1 {offsets = [1, 0], sizes = [1, 10240], strides = [1, 1]} : vector<2x10240xf32> to vector<1x10240xf32>
    %add3A = arith.addf %slice3A, %slice3A_2 : vector<1x10240xf32>
    %add3A_3 = arith.constant 1.000000e+00 : f32
    %add3A_4 = vector.broadcast %add3A_3 : f32 to vector<1x10240xf32>
    %add3A_5 = arith.addf %add3A, %add3A_4 : vector<1x10240xf32>
    %rsqrt3A = math.rsqrt %add3A_5 : vector<1x10240xf32>
    %mul3A = arith.constant 5.000000e-01 : f32
    %mul3A_6 = vector.broadcast %mul3A : f32 to vector<1x10240xf32>
    %mul3A_7 = arith.mulf %mul3A_6, %add3A_5 : vector<1x10240xf32>
    %mul3A_8 = arith.mulf %mul3A_7, %rsqrt3A : vector<1x10240xf32>
    %mul3A_9 = arith.mulf %mul3A_8, %rsqrt3A : vector<1x10240xf32>
    %sub3A = arith.constant 1.500000e+00 : f32
    %sub3A_10 = vector.broadcast %sub3A : f32 to vector<1x10240xf32>
    %sub3A_11 = arith.subf %sub3A_10, %mul3A_9 : vector<1x10240xf32>
    %mul3A_12 = arith.mulf %rsqrt3A, %sub3A_11 : vector<1x10240xf32>
    %broadcast_in_dim3A = arith.constant 1.000000e+00 : f32
    %broadcast_in_dim3A_13 = vector.broadcast %broadcast_in_dim3A : f32 to vector<1x128xf32>
    %dot_general3A = arith.constant dense<0.000000e+00> : vector<10240x128xf32>
    %dot_general3A_14 = tpu.matmul %mul3A_12, %broadcast_in_dim3A_13, %dot_general3A {dimension_numbers = #tpu.dot_dimension_numbers<[0], [0], [1], [1], [0, 1, 1, 1], [], []>, precision = #tpu.contract_precision<fp32>, transpose_lhs_hint = false} : vector<1x10240xf32>, vector<1x128xf32>, vector<10240x128xf32> -> vector<10240x128xf32>
    %swap3A = arith.constant 0 : index
    %swap3A_15 = arith.constant 0 : index
    %swap3A_16 = vector.load %arg4[%swap3A, %swap3A_15] : memref<10240x128xf32, #tpu.memory_space<vmem>>, vector<10240x128xf32>
    tpu.vector_store %arg4[%swap3A, %swap3A_15], %dot_general3A_14 {strides = array<i32>} : memref<10240x128xf32, #tpu.memory_space<vmem>>, vector<10240x128xf32>,
    %get3A_17 = arith.constant 0 : index
    %get3A_18 = arith.constant 0 : index
    %get3A_19 = vector.load %arg1[%get3A_17, %get3A_18] : memref<10000x128xf32, #tpu.memory_space<vmem>>, vector<10000x128xf32>
    %get3A_20 = arith.constant 0 : index
    %get3A_21 = arith.constant 0 : index
    %get3A_22 = vector.load %arg2[%get3A_20, %get3A_21] : memref<128x128xf32, #tpu.memory_space<vmem>>, vector<128x128xf32>
    %dot_general3A_23 = arith.constant dense<0.000000e+00> : vector<10000x128xf32>
    %dot_general3A_24 = tpu.matmul %get3A_19, %get3A_22, %dot_general3A_23 {dimension_numbers = #tpu.dot_dimension_numbers<[1], [0], [0], [1], [0, 0, 1, 1], [], []>, transpose_lhs_hint = false} : vector<10000x128xf32>, vector<128x128xf32>, vector<10000x128xf32> -> vector<10000x128xf32>
    %slice3A_25 = vector.extract_strided_slice %dot_general3A_14 {offsets = [0, 0], sizes = [10000, 128], strides = [1, 1]} : vector<10240x128xf32> to vector<10000x128xf32>
    %mul3A_26 = arith.mulf %dot_general3A_24, %slice3A_25 : vector<10000x128xf32>
    %swap3A_27 = arith.constant 0 : index
    %swap3A_28 = arith.constant 0 : index
    %swap3A_29 = vector.load %arg3[%swap3A_27, %swap3A_28] : memref<10000x128xf32, #tpu.memory_space<vmem>>, vector<10000x128xf32>
    tpu.vector_store %arg3[%swap3A_27, %swap3A_28], %mul3A_26 {strides = array<i32>} : memref<10000x128xf32, #tpu.memory_space<vmem>>, vector<10000x128xf32>,
    return
  }
}

module attributes {stable_mosaic.version = 14 : i64} {
  func.func @body(%arg0: memref<10240x128xf32, #tpu.memory_space<vmem>>, %arg1: memref<2x10240x128xf32, #tpu.memory_space<vmem>>, %arg2: memref<10000x128xf32, #tpu.memory_space<vmem>>, %arg3: memref<1x128xf32, #tpu.memory_space<vmem>>, %arg4: memref<128x1xf32, #tpu.memory_space<vmem>>, %arg5: memref<1x1xf32, #tpu.memory_space<vmem>>, %arg6: memref<10000x1xf32, #tpu.memory_space<vmem>>) attributes {dimension_semantics = [], scalar_prefetch = 0 : i64, scratch_operands = 0 : i64, tpu.core_type = #tpu.core_type<tc>} {
    %get3A = arith.constant 0 : index
    %get3A_0 = arith.constant 0 : index
    %get3A_1 = vector.load %arg0[%get3A, %get3A_0] : memref<10240x128xf32, #tpu.memory_space<vmem>>, vector<10240x128xf32>
    %slice3A = vector.extract_strided_slice %get3A_1 {offsets = [0, 0], sizes = [10000, 128], strides = [1, 1]} : vector<10240x128xf32> to vector<10000x128xf32>
    %get3A_2 = arith.constant 0 : index
    %get3A_3 = arith.constant 0 : index
    %get3A_4 = arith.constant 0 : index
    %get3A_5 = vector.load %arg1[%get3A_2, %get3A_3, %get3A_4] : memref<2x10240x128xf32, #tpu.memory_space<vmem>>, vector<1x10000x128xf32>
    %get3A_6 = vector.shape_cast %get3A_5 : vector<1x10000x128xf32> to vector<10000x128xf32>
    %get3A_7 = arith.constant 1 : index
    %get3A_8 = arith.constant 0 : index
    %get3A_9 = arith.constant 0 : index
    %get3A_10 = vector.load %arg1[%get3A_7, %get3A_8, %get3A_9] : memref<2x10240x128xf32, #tpu.memory_space<vmem>>, vector<1x10000x128xf32>
    %get3A_11 = vector.shape_cast %get3A_10 : vector<1x10000x128xf32> to vector<10000x128xf32>
    %add3A = arith.addf %get3A_6, %get3A_11 : vector<10000x128xf32>
    %get3A_12 = arith.constant 0 : index
    %get3A_13 = arith.constant 0 : index
    %get3A_14 = vector.load %arg2[%get3A_12, %get3A_13] : memref<10000x128xf32, #tpu.memory_space<vmem>>, vector<10000x128xf32>
    %add3A_15 = arith.addf %add3A, %get3A_14 : vector<10000x128xf32>
    %mul3A = arith.mulf %slice3A, %add3A_15 : vector<10000x128xf32>
    %get3A_16 = arith.constant 0 : index
    %get3A_17 = arith.constant 0 : index
    %get3A_18 = vector.load %arg3[%get3A_16, %get3A_17] : memref<1x128xf32, #tpu.memory_space<vmem>>, vector<1x128xf32>
    %add3A_19 = vector.broadcast %get3A_18 : vector<1x128xf32> to vector<10000x128xf32>
    %add3A_20 = arith.addf %mul3A, %add3A_19 : vector<10000x128xf32>
    %get3A_21 = arith.constant 0 : index
    %get3A_22 = arith.constant 0 : index
    %get3A_23 = vector.load %arg4[%get3A_21, %get3A_22] : memref<128x1xf32, #tpu.memory_space<vmem>>, vector<128x1xf32>
    %dot_general3A = arith.constant dense<0.000000e+00> : vector<10000x1xf32>
    %dot_general3A_24 = tpu.matmul %add3A_20, %get3A_23, %dot_general3A {dimension_numbers = #tpu.dot_dimension_numbers<[1], [0], [0], [1], [0, 0, 1, 1], [], []>, transpose_lhs_hint = false} : vector<10000x128xf32>, vector<128x1xf32>, vector<10000x1xf32> -> vector<10000x1xf32>
    %get3A_25 = arith.constant 0 : index
    %get3A_26 = arith.constant 0 : index
    %get3A_27 = vector.load %arg5[%get3A_25, %get3A_26] : memref<1x1xf32, #tpu.memory_space<vmem>>, vector<1x1xf32>
    %add3A_28 = vector.broadcast %get3A_27 : vector<1x1xf32> to vector<10000x1xf32>
    %add3A_29 = arith.addf %dot_general3A_24, %add3A_28 : vector<10000x1xf32>
    %swap3A = arith.constant 0 : index
    %swap3A_30 = arith.constant 0 : index
    %swap3A_31 = vector.load %arg6[%swap3A, %swap3A_30] : memref<10000x1xf32, #tpu.memory_space<vmem>>, vector<10000x1xf32>
    tpu.vector_store %arg6[%swap3A, %swap3A_30], %add3A_29 {strides = array<i32>} : memref<10000x1xf32, #tpu.memory_space<vmem>>, vector<10000x1xf32>,
    return
  }
}

</mosaic_0001>

<sc_bundles>
// kernel: kernel.11.cloned.1.call-start
scs
__scs_entry_jumppad:
0x0: {  	(pc) =	sbr.rel $0x88, $3  }
0x1: {  	(tag) =	ssettag $0x0;
	lr =	simm.s32 $0x1  }
0x2: {  	[smem:$0x3F99] =	sst lr;
	_ =	strace $0xD0000000  }
0x3: {  	_ = 	snop  }
0x4: {  	_ = 	snop  }
0x5: {  	_ = 	snop  }
0x6: {  	_ = 	snop  }
0x7: {  	_ = 	snop  }
__scs_overlays_trampoline_lowered:
0x8: {  	[smem:$0x3FA8] =	sst s0  }
0x9: {  	[smem:$0x3FA9] =	sst s1  }
0xa: {  	[smem:$0x3FAA] =	sst s2  }
0xb: {  	[smem:$0x3FAB] =	sst s3  }
0xc: {  	[smem:$0x3FAC] =	sst s4  }
0xd: {  	[smem:$0x3FAD] =	sst s5  }
0xe: {  	[smem:$0x3FAE] =	sst s6  }
0xf: {  	[smem:$0x3FAF] =	sst s7  }
0x10: {  	[smem:$0x3FB0] =	sst s8  }
0x11: {  	[smem:$0x3FB1] =	sst s9;
	s0 =	simm.s32 @!p0 $0x0  }
0x12: {  	s1 =	sld [smem:$0x3F97];
	s0 =	simm.s32 @p0 $0x1  }
0x13: {  	[smem:$0x3FB2] =	sst s0;
	s0 =	simm.s32 @!p1 $0x0  }
0x14: {  	s2 =	sld [smem:$0x3F96];
	s0 =	simm.s32 @p1 $0x1  }
0x15: {  	[smem:$0x3FB3] =	sst s0;
	s0 =	simm.s32 @!p2 $0x0  }
0x16: {  	s3 =	sld [smem:$0x3FDB];
	s0 =	simm.s32 @p2 $0x1  }
0x17: {  	s4 =	simm.s32 $0x1BF5;
	[smem:$0x3FB5] =	sst s0  }
0x18: {  	s0 =	sld [smem:$0x3F98];
	_ =	swait.ge [sflag:s4], $0x0  }
0x19: {  	s7 =	sld [smem:$0x3F99]  }
0x1a: {  	s8 =	sadd.s32 $0xFFFFE003, lr  }
0x1b: {  	s9 =	sadd.s32 $0xFFFFFEF7, lr;
	s5 =	simm.s32 $0xFFFFFFFF;
	p2 =	slt.u32 s8, $0xFFFFF086  }
0x1c: {  	p1 =	slt.u32 s9, $0xF7A;
	s5 =	simm.s32 @!p2 $0x0  }
0x1d: {  	s5 =	simm.s32 @p1 $0x1;
	p0 =	seq.s32 s7, s2  }
0x1e: {  	s7 =	smul.u32 @!p0 $0xF7A, s2;
	p2 =	seq.s32 @!p0 s5, $0x0  }
0x1f: {  	s9 =	smul.u32 $0xF7A, s1;
	s8 =	simm.s32 @!p0 $0x1BF5;
	p2 =	por !p2, p0  }
0x20: {  	[sflag:s8] =	ssyncset.s32 @!p0 $0xFFFFF086;
	s6 =	sadd.s32 @!p0 s3, s7;
	s7 =	simm.s32 @!p0 $0x108  }
0x21: {  	s3 =	sadd.s32 s3, s9;
	s6 =	sadd.s32 @!p0 $0x88, s6;
	s7 =	simm.s32 @p2 $0x1082  }
0x22: {  	[simem:s7], [sflag:s8] =	dma.local @!p0 [hbm:s6], $0xF7A  }
0x23: {  	s9 =	sor.u32 $0xD0000000, s2;
	s6 =	simm.s32 $0x108;
	_ =	swait.ge @!p0 [sflag:s8], $0x0  }
0x24: {  	s3 =	sadd.s32 $0x88, s3;
	s6 =	simm.s32 @!p1 $0x1082;
	[sflag:s4] =	ssyncset.s32 $0xFFFFF086  }
0x25: {  	[simem:s6], [sflag:s4] =	dma.local [hbm:s3], $0xF7A  }
0x26: {  	[smem:$0x3F99] =	sst s1;
	(tag) =	ssettag s2;
	_ =	strace s9  }
0x27: {  	s1 =	sld [smem:$0x3FA9]  }
0x28: {  	s2 =	sld [smem:$0x3FAA]  }
0x29: {  	s4 =	sld [smem:$0x3FAC]  }
0x2a: {  	p0 =	seq.s32 s5, $0x0;
	s5 =	sld [smem:$0x3FAD]  }
0x2b: {  	s6 =	sld [smem:$0x3FAE]  }
0x2c: {  	s7 =	sld [smem:$0x3FAF]  }
0x2d: {  	s3 =	simm.s32 $0x108;
	s8 =	sld [smem:$0x3FB0]  }
0x2e: {  	s3 =	simm.s32 @!p0 $0x1082;
	s9 =	sld [smem:$0x3FB1]  }
0x2f: {  	lr =	sadd.s32 s0, s3;
	s0 =	sld [smem:$0x3FA8]  }
0x30: {  	s3 =	sld [smem:$0x3FAB]  }
0x31: {  	[smem:$0x3FB4] =	sst s10  }
0x32: {  	s10 =	sld [smem:$0x3FB2];
	_ =	sdelay $0x3  }
0x33: {  	p0 =	seq.s32 s10, $0x1;
	s10 =	sld [smem:$0x3FB4];
	_ =	sdelay $0x3  }
0x34: {  	[smem:$0x3FB4] =	sst s10  }
0x35: {  	s10 =	sld [smem:$0x3FB3];
	_ =	sdelay $0x3  }
0x36: {  	p1 =	seq.s32 s10, $0x1;
	s10 =	sld [smem:$0x3FB4];
	_ =	sdelay $0x3  }
0x37: {  	[smem:$0x3FB4] =	sst s10  }
0x38: {  	s10 =	sld [smem:$0x3FB5]  }
0x39: {  	_ = 	snop;
	(pc) =	sbr.ind lr, $3  }
0x3a: {  	_ = 	snop  }
0x3b: {  	_ = 	snop  }
0x3c: {  	p2 =	seq.s32 s10, $0x1;
	s10 =	sld [smem:$0x3FB4]  }
0x3d: {  	_ =	shalt  }
0x3e: {  	_ =	shalt  }
0x3f: {  	_ =	shalt  }
0x40: {  	_ =	shalt  }
0x41: {  	_ =	shalt  }
0x42: {  	_ =	shalt  }
0x43: {  	_ =	shalt  }
0x44: {  	_ =	shalt  }
0x45: {  	_ =	shalt  }
0x46: {  	_ =	shalt  }
0x47: {  	_ =	shalt  }
0x48: {  	_ =	shalt  }
0x49: {  	_ =	shalt  }
0x4a: {  	_ =	shalt  }
0x4b: {  	_ =	shalt  }
0x4c: {  	_ =	shalt  }
0x4d: {  	_ =	shalt  }
0x4e: {  	_ =	shalt  }
0x4f: {  	_ =	shalt  }
0x50: {  	_ =	shalt  }
0x51: {  	_ =	shalt  }
0x52: {  	_ =	shalt  }
0x53: {  	_ =	shalt  }
0x54: {  	_ =	shalt  }
0x55: {  	_ =	shalt  }
0x56: {  	_ =	shalt  }
0x57: {  	_ =	shalt  }
0x58: {  	_ =	shalt  }
0x59: {  	_ =	shalt  }
0x5a: {  	_ =	shalt  }
0x5b: {  	_ =	shalt  }
0x5c: {  	_ =	shalt  }
0x5d: {  	_ =	shalt  }
0x5e: {  	_ =	shalt  }
0x5f: {  	_ =	shalt  }
0x60: {  	_ =	shalt  }
0x61: {  	_ =	shalt  }
0x62: {  	_ =	shalt  }
0x63: {  	_ =	shalt  }
0x64: {  	_ =	shalt  }
0x65: {  	_ =	shalt  }
0x66: {  	_ =	shalt  }
0x67: {  	_ =	shalt  }
0x68: {  	_ =	shalt  }
0x69: {  	_ =	shalt  }
0x6a: {  	_ =	shalt  }
0x6b: {  	_ =	shalt  }
0x6c: {  	_ =	shalt  }
0x6d: {  	_ =	shalt  }
0x6e: {  	_ =	shalt  }
0x6f: {  	_ =	shalt  }
0x70: {  	_ =	shalt  }
0x71: {  	_ =	shalt  }
0x72: {  	_ =	shalt  }
0x73: {  	_ =	shalt  }
0x74: {  	_ =	shalt  }
0x75: {  	_ =	shalt  }
0x76: {  	_ =	shalt  }
0x77: {  	_ =	shalt  }
0x78: {  	_ =	shalt  }
0x79: {  	_ =	shalt  }
0x7a: {  	_ =	shalt  }
0x7b: {  	_ =	shalt  }
0x7c: {  	_ =	shalt  }
0x7d: {  	_ =	shalt  }
0x7e: {  	_ =	shalt  }
0x7f: {  	_ =	shalt  }
0x80: {  	_ =	shalt  }
0x81: {  	_ =	shalt  }
0x82: {  	_ =	shalt  }
0x83: {  	_ =	shalt  }
0x84: {  	_ =	shalt  }
0x85: {  	_ =	shalt  }
0x86: {  	_ =	shalt  }
0x87: {  	_ =	shalt  }
.Lfunc_end0:
.L_simem_size_0:
called_computation.1_lowered:
.L_overlay_start_0:
0x88: {  	s2 =	sld [smem:$0x3FD9]  }
0x89: {  	s3 =	sld [smem:$0x3FFE];
	_ =	sdelay $0x1  }
0x8a: {  	s1 =	srdreg.scid  }
0x8b: {  	s0 =	sand.u32 $0x1, s1  }
0x8c: {  	s16 =	sshll.u32 s0, $0xA;
	s2 =	sadd.s32 s3, s2  }
0x8d: {  	s2 =	sadd.s32 s2, s16  }
0x8e: {  	[smem:$0x3FC0] =	sst s2  }
0x8f: {  	_ = 	snop  }
0x90: {  	(tm) =	ssettm $0x1  }
0x91: {  	s17 =	sld [smem:$0x3FFB];
	_ =	sdelay $0x3  }
0x92: {  	_ =	strace s17  }
0x93: {  	s2 =	sld [smem:$0x3FFC];
	_ =	sdelay $0x3  }
0x94: {  	_ =	strace s2  }
0x95: {  	s2 =	sld [smem:$0x3FFD];
	_ =	sdelay $0x3  }
0x96: {  	_ =	strace s2  }
0x97: {  	_ =	strace $0x8FFFFFFF  }
0x98: {  	s18 =	sld [smem:$0x3FDB];
	_ =	sdelay $0x1  }
0x99: {  	s19 =	simm.s32 $_scs_section_size  }
0x9a: {  	s4 =	simm.s32 $_size__tile_overlayer_lowered;
	s5 =	simm.s32 $_tile_overlayer_lowered  }
0x9b: {  	s22 =	simm.s32 $0x1BFF;
	s21 =	sshll.u32 s5, $0x1;
	s2 =	sadd.s32 s19, s18  }
0x9c: {  	s6 =	simm.s32 $0x0;
	s20 =	sshll.u32 s4, $0x1;
	s4 =	sadd.s32 s21, s2  }
0x9d: {  	[timem:s6], [sflag:s22] =	dma.local [hbm:s4], s20  }
0x9e: {  	_ =	swait.ge [sflag:s22], s20  }
0x9f: {  	s3 =	ssub.s32 $0x0, s20;
	[sflag:s22] =	ssyncset.done $0x0  }
0xa0: {  	[sflag:s22] =	ssyncadd.s32 s3;
	_ =	sdelay $0x1  }
0xa1: {  	s23 =	simm.s32 $0x1B8B  }
0xa2: {  	_ =	swait.ge [sflag:s23], $0x1  }
0xa3: {  	[sflag:s23] =	ssyncset.done $0x0  }
0xa4: {  	s25 =	simm.s32 $0x1B8E;
	s24 =	sld [smem:$0x3FFE];
	[sflag:s23] =	ssyncadd.s32 $0xFFFFFFFF  }
0xa5: {  	s26 =	simm.s32 $execute0_lowered;
	[smem:$0x3FD2] =	sst s25  }
0xa6: {  	s4 =	sshll.u32 s26, $0x1;
	_ =	strace $0x80000049;
	[dreg:$0x1] =	wrdreg $0xFFFFFFFF  }
0xa7: {  	s28 =	simm.s32 $_size_execute0_lowered;
	s2 =	sadd.s32 s2, s4;
	[dreg:$0x0] =	wrdreg $0x0  }
0xa8: {  	s4 =	sshll.u32 s28, $0x1;
	[dreg:$0x2] =	wrdreg s2  }
0xa9: {  	[dreg:$0x3] =	wrdreg s4  }
0xaa: {  	[dreg:$0x4] =	wrdreg $0xC0  }
0xab: {  	_ =	task [dreg:s6], $0x5FFFF  }
0xac: {  	[dreg:$0x1] =	wrdreg $0xFFFFFFFF  }
0xad: {  	[dreg:$0x0] =	wrdreg $0x60  }
0xae: {  	[dreg:$0x2] =	wrdreg s24  }
0xaf: {  	[dreg:$0x3] =	wrdreg $0x49000  }
0xb0: {  	[dreg:$0x4] =	wrdreg $0x9  }
0xb1: {  	_ =	task.clear_ibuf [dreg:s6], $0x5FFFF;
	_ =	strace $0x90000049  }
0xb2: {  	s29 =	simm.s32 $0x9;
	_ =	strace $0x8000004B  }
0xb3: {  	_ =	swait.ge [sflag:s29], $0x1  }
0xb4: {  	[sflag:s29] =	ssyncadd.s32 $0xFFFFFFFF  }
0xb5: {  	_ =	strace $0x9000004B  }
0xb6: {  	_ =	sfence  }
0xb7: {  	s30 =	sld [smem:$0x0];
	_ =	sdelay $0x2  }
0xb8: {  	s31 =	sshll.u32 s1, $0xD;
	s1 =	sshrl.u32 s1, $0x2  }
0xb9: {  	s3 =	sand.u32 $0x4000, s31;
	s1 =	sadd.s32 s1, s30  }
0xba: {  	s0 =	sor.u32 s3, s0;
	s1 =	sshll.u32 s1, $0x11  }
0xbb: {  	s0 =	sor.u32 s1, s0  }
0xbc: {  	s0 =	sadd.s32 $0x8F2B, s0  }
0xbd: {  	[sflag:s0] =	ssyncadd.remote.s32 $0x1  }
0xbe: {  	_ =	sfence.sel $0xFFFF  }
0xbf: {  	[dreg:$0x0] =	wrdreg $0xFFFFFFFF;
	(pc) =	sbr.abs _section_cstart, $3  }
0xc0: {  	[dreg:$0x1] =	wrdreg $0xFFFFFFFF  }
0xc1: {  	_ =	task.clear_ibuf [dreg:s6], $0x2FFFF;
	_ =	strace $0x9FFFFFFF  }
0xc2: {  	(tm) =	ssettm $0x7FFFFFFF  }
0xc3: {  	_ =	shalt  }
tec
execute0_lowered:
.L_overlay_start_1:
0x0: {  	(tag) =	ssettag $0x1  }
0x1: {  	s5 =	rddreg [dreg:$0x0];
	s0 =	srdreg.scid  }
0x2: {  	s1 =	rddreg [dreg:$0x1];
	s3 =	simm.s32 $0x0;
	s2 =	stileid.u32  }
0x3: {  	s12 =	simm.s32 $0x80;
	s13 =	simm.s32 $0x100;
	s9 =	smul.u32 $0x14000, s2  }
0x4: {  	s14 =	simm.s32 $0x1;
	s17 =	simm.s32 $0x0;
	s29 =	smul.u32 $0x50000, s2  }
0x5: {  	s6 =	sand.u32 $0x1, s0;
	s0 =	rddreg [dreg:$0x2];
	s11 =	smul.u32 $0x500, s2  }
0x6: {  	[smem:$0x7FF] =	sst s3;
	s4 =	sadd.s32 $0x16C00, s5;
	s7 =	smul.u32 $0x5000, s6  }
0x7: {  	s15 =	sshll.u32 s2, $0x6;
	s8 =	smul.u32 $0x140000, s6;
	s6 =	ssub.s32 $0x2, s6  }
0x8: {  	_ =	strace $0x8000004A;
	s15 =	sor.u32 $0x1C02, s15;
	s10 =	sshrl.u32 s6, $0x1  }
0x9: {  	s30 =	sshrl.u32 s29, $0x2;
	s7 =	sadd.s32 s7, s5;
	s8 =	sadd.s32 s9, s8  }
0xa: {  	s10 =	ssub.s32 s6, s10;
	s8 =	sshrl.u32 s8, $0x3;
	s31 =	sadd.s32 s11, s7  }
0xb: {  	s7 =	smax.u32 s10, $0x1;
	s10 =	simm.s32 $0x4100;
	s11 =	simm.s32 $0x2  }
0xc: {  	s8 =	sadd.s32 s8, s5;
	s5 =	sadd.s32 s30, s1;
	s9 =	sadd.s32 $0xCC00, s31  }
0xd: {  	v0 =	vimm.f32 $0.0e+00;
	s6 =	sadd.s32 $0x3DE00, s8;
	s8 =	sadd.s32 $0x2200, s31;
	s16 =	sshrl.u32 s5, $0x3  }
.LBB2_1:
0xe: {  	s18 =	simm.s32 $0x0;
	s19 =	simm.s32 $0x200  }
.LBB2_2:
0xf: {  	p0 =	sne.s32 s19, $0x1E00;
	[tilespmem:s18+$0x4170] =	vst v0  }
0x10: {  	[tilespmem:s18+$0x4100] =	vst v0  }
0x11: {  	[tilespmem:s18+$0x4110] =	vst v0  }
.Ltmp0:
0x12: {  	[tilespmem:s18+$0x4120] =	vst v0;
	(pc) =	sbr.rel @p0 .LBB2_2-.Ltmp0, $4  }
0x13: {  	[tilespmem:s18+$0x4130] =	vst v0  }
0x14: {  	[tilespmem:s18+$0x4140] =	vst v0  }
0x15: {  	[tilespmem:s18+$0x4150] =	vst v0  }
0x16: {  	[tilespmem:s18+$0x4160] =	vst v0;
	s18 =	sshra.s32 s19, $0x2;
	s19 =	sadd.s32 $0x200, s19  }
0x17: {  	[tilespmem:s18+$0x4170] =	vst v0  }
0x18: {  	[tilespmem:s18+$0x4100] =	vst v0  }
0x19: {  	[tilespmem:s18+$0x4110] =	vst v0  }
0x1a: {  	[tilespmem:s18+$0x4120] =	vst v0  }
0x1b: {  	[tilespmem:s18+$0x4130] =	vst v0  }
0x1c: {  	[tilespmem:s18+$0x4140] =	vst v0  }
0x1d: {  	[tilespmem:s18+$0x4150] =	vst v0  }
0x1e: {  	[tilespmem:s18+$0x4160] =	vst v0;
	s31 =	sadd.s32 $0x0, s5  }
0x1f: {  	[spmem:s31] =	stream.linear.scatter [tilespmem:s10], [sflag:$0x2], $0x800, $0x38;
	[tilespmem:$0x18900] =	vst v63  }
0x20: {  	s18 =	simm.s32 $0x2000;
	_ =	swait.ge [sflag:s11], $0x800  }
.LBB2_4:
0x21: {  	s19 =	sshra.s32 s18, $0x2;
	[sflag:s11] =	ssyncset.done $0x0;
	p0 =	sne.s32 s18, $0x4E000  }
.Ltmp1:
0x22: {  	s19 =	sadd.s32 s19, s5;
	[sflag:s11] =	ssyncadd.s32 $0xFFFFF800;
	(pc) =	sbr.rel @p0 .LBB2_4-.Ltmp1, $3  }
0x23: {  	[spmem:s19] =	stream.linear.scatter [tilespmem:s10], [sflag:$0x2], $0x800, $0x38;
	[tilespmem:$0x18900] =	vst v63  }
0x24: {  	s18 =	sadd.s32 $0x2000, s18;
	_ =	sdelay $0x1  }
0x25: {  	_ =	swait.ge [sflag:s11], $0x800  }
0x26: {  	[sflag:s11] =	ssyncset.done $0x0  }
0x27: {  	[sflag:s11] =	ssyncadd.s32 $0xFFFFF800  }
0x28: {  	s18 =	sadd.s32 $0x0, s9;
	[bflag:$0x0] =	sbarrier.arrive $0xFFFF  }
0x29: {  	[tilespmem:s3], [sflag:$0x2] =	stream.linear.gather [hbm4b:s18+s3], $0x80, $0x38;
	[tilespmem:$0x18900] =	vst v63  }
0x2a: {  	_ =	swait.ge [sflag:s11], $0x80  }
0x2b: {  	[sflag:s11] =	ssyncset.done $0x0  }
0x2c: {  	s31 =	sadd.s32 $0x0, s8;
	[sflag:s11] =	ssyncadd.s32 $0xFFFFFF80  }
0x2d: {  	[tilespmem:s12], [sflag:$0x2] =	stream.linear.gather [hbm4b:s31+s3], $0x80, $0x38;
	[tilespmem:$0x18900] =	vst v63  }
0x2e: {  	_ =	swait.ge [sflag:s11], $0x80  }
0x2f: {  	[sflag:s11] =	ssyncset.done $0x0  }
0x30: {  	[sflag:s11] =	ssyncadd.s32 $0xFFFFFF80  }
0x31: {  	[tilespmem:s13], [sflag:$0x1] =	stream.indirect.gather [hbm4b:s4+s12], $0x80, s3, s12, $0xb8;
	[tilespmem:$0x18900] =	vst v63  }
0x32: {  	_ =	swait.ge [sflag:s14], $0x4000  }
0x33: {  	[sflag:s14] =	ssyncset.done $0x0  }
0x34: {  	[sflag:s14] =	ssyncadd.s32 $0xFFFFC000  }
0x35: {  	[spmem:s1] =	stream.indirect.scatter.add.f32 [tilespmem:s13], [sflag:$0x2], $0x80, s12, s12, $0xb8;
	[tilespmem:$0x18900] =	vst v63  }
0x36: {  	_ =	swait.ge [sflag:s11], $0x4000  }
0x37: {  	s19 =	simm.s32 $0x20;
	s18 =	simm.s32 $0x10;
	[sflag:s11] =	ssyncset.done $0x0  }
.LBB2_6:
0x38: {  	s20 =	sadd.s32 s18, s9  }
0x39: {  	[sflag:s11] =	ssyncadd.s32 $0xFFFFC000;
	s21 =	smov.u32 s19;
	s22 =	sadd.s32 $0x10, s19  }
0x3a: {  	[tilespmem:s3], [sflag:$0x2] =	stream.linear.gather [hbm4b:s20+s3], $0x80, $0x38;
	[tilespmem:$0x18900] =	vst v63  }
0x3b: {  	p0 =	sne.s32 s19, $0x4F0;
	_ =	swait.ge [sflag:s11], $0x80  }
0x3c: {  	[sflag:s11] =	ssyncset.done $0x0  }
0x3d: {  	s19 =	sadd.s32 s18, s8;
	s18 =	smov.u32 s21;
	[sflag:s11] =	ssyncadd.s32 $0xFFFFFF80  }
0x3e: {  	[tilespmem:s12], [sflag:$0x2] =	stream.linear.gather [hbm4b:s19+s3], $0x80, $0x38;
	[tilespmem:$0x18900] =	vst v63  }
0x3f: {  	_ =	swait.ge [sflag:s11], $0x80  }
0x40: {  	[sflag:s11] =	ssyncset.done $0x0  }
0x41: {  	[sflag:s11] =	ssyncadd.s32 $0xFFFFFF80  }
0x42: {  	[tilespmem:s13], [sflag:$0x1] =	stream.indirect.gather [hbm4b:s4+s12], $0x80, s3, s12, $0xb8;
	[tilespmem:$0x18900] =	vst v63  }
0x43: {  	_ =	swait.ge [sflag:s14], $0x4000  }
.Ltmp2:
0x44: {  	[sflag:s14] =	ssyncset.done $0x0;
	(pc) =	sbr.rel @p0 .LBB2_6-.Ltmp2, $4  }
0x45: {  	[sflag:s14] =	ssyncadd.s32 $0xFFFFC000  }
0x46: {  	[spmem:s1] =	stream.indirect.scatter.add.f32 [tilespmem:s13], [sflag:$0x2], $0x80, s12, s12, $0xb8;
	[tilespmem:$0x18900] =	vst v63  }
0x47: {  	_ =	swait.ge [sflag:s11], $0x4000  }
0x48: {  	s19 =	smov.u32 s22;
	[sflag:s11] =	ssyncset.done $0x0  }
0x49: {  	s19 =	sadd.s32 s18, s9;
	[sflag:s11] =	ssyncadd.s32 $0xFFFFC000  }
0x4a: {  	[tilespmem:s3], [sflag:$0x2] =	stream.linear.gather [hbm4b:s19+s3], $0x80, $0x38;
	[tilespmem:$0x18900] =	vst v63  }
0x4b: {  	_ =	swait.ge [sflag:s11], $0x80  }
0x4c: {  	[sflag:s11] =	ssyncset.done $0x0  }
0x4d: {  	s31 =	sadd.s32 s18, s8;
	[sflag:s11] =	ssyncadd.s32 $0xFFFFFF80  }
0x4e: {  	[tilespmem:s12], [sflag:$0x2] =	stream.linear.gather [hbm4b:s31+s3], $0x80, $0x38;
	[tilespmem:$0x18900] =	vst v63  }
0x4f: {  	_ =	swait.ge [sflag:s11], $0x80  }
0x50: {  	[sflag:s11] =	ssyncset.done $0x0  }
0x51: {  	[sflag:s11] =	ssyncadd.s32 $0xFFFFFF80  }
0x52: {  	[tilespmem:s13], [sflag:$0x1] =	stream.indirect.gather [hbm4b:s4+s12], $0x80, s3, s12, $0xb8;
	[tilespmem:$0x18900] =	vst v63  }
0x53: {  	_ =	swait.ge [sflag:s14], $0x4000  }
0x54: {  	[sflag:s14] =	ssyncset.done $0x0  }
0x55: {  	[sflag:s14] =	ssyncadd.s32 $0xFFFFC000  }
0x56: {  	[spmem:s1] =	stream.indirect.scatter.add.f32 [tilespmem:s13], [sflag:$0x2], $0x80, s12, s12, $0xb8;
	[tilespmem:$0x18900] =	vst v63  }
0x57: {  	_ =	swait.ge [sflag:s11], $0x4000  }
0x58: {  	s17 =	sadd.s32 $0x1, s17;
	[sflag:s11] =	ssyncset.done $0x0  }
0x59: {  	p0 =	sne.s32 s17, s7;
	[sflag:s11] =	ssyncadd.s32 $0xFFFFC000  }
.Ltmp3:
0x5a: {  	[bflag:$0x0] =	sbarrier.arrive $0xFFFF;
	(pc) =	sbr.rel @p0 .LBB2_1-.Ltmp3, $4  }
0x5b: {  	[hbm:s6], [sflag:s15] =	dma.local [spmem:s16], $0x2800  }
0x5c: {  	_ =	swait.ge [sflag:s11], $0x2800  }
0x5d: {  	[sflag:s11] =	ssyncset.done $0x0  }
0x5e: {  	[sflag:s11] =	ssyncadd.s32 $0xFFFFD800  }
0x5f: {  	_ =	sfence.sel $0x180000  }
0x60: {  	[bflag:$0x0] =	sbarrier.arrive $0xFFFF  }
0x61: {  	p0 =	sne.s32 s2, $0x0;
	_ =	strace $0x9000004A  }
0x62: {  	s0 =	sadd.s32 @!p0 $0x100000, s0;
	[bflag:$0x2] =	sbarrier.arrive $0xFFFF  }
0x63: {  	[sflag:s0] =	ssyncadd.tile.s32 @!p0 $0x1;
	_ =	shalt  }
.Lfunc_end2:
_tile_overlayer_lowered:
.L_overlay_start_2:
0x64: {  	(tag) =	ssettag $0x2  }
0x65: {  	s0 =	rddreg [dreg:$0x0];
	s2 =	stileid.u32  }
0x66: {  	s1 =	rddreg [dreg:$0x1];
	p0 =	sne.s32 s2, $0x0  }
0x67: {  	s3 =	rddreg [dreg:$0x2];
	[bflag:$0x3] =	sbarrier.arrive $0xFFFF;
	s2 =	simm.s32 @!p0 $0x1C02  }
0x68: {  	[timem:s3], [sflag:s2] =	dma.local @!p0 [hbm:s0], s1  }
0x69: {  	s0 =	simm.s32 @!p0 $0x2  }
0x6a: {  	_ =	swait.ge @!p0 [sflag:s0], s1  }
0x6b: {  	s1 =	ssub.s32 @!p0 $0x0, s1;
	[sflag:s0] =	ssyncset.done @!p0 $0x0  }
0x6c: {  	[sflag:s0] =	ssyncadd.s32 @!p0 s1  }
0x6d: {  	[bflag:$0x3] =	sbarrier.arrive $0xFFFF  }
0x6e: {  	_ =	shalt  }

// kernel: kernel.14.cloned.1.call-start
scs
__scs_entry_jumppad:
0x0: {  	(pc) =	sbr.rel $0x88, $3  }
0x1: {  	(tag) =	ssettag $0x0;
	lr =	simm.s32 $0x1  }
0x2: {  	[smem:$0x3F99] =	sst lr;
	_ =	strace $0xD0000000  }
0x3: {  	_ = 	snop  }
0x4: {  	_ = 	snop  }
0x5: {  	_ = 	snop  }
0x6: {  	_ = 	snop  }
0x7: {  	_ = 	snop  }
__scs_overlays_trampoline_lowered:
0x8: {  	[smem:$0x3FA8] =	sst s0  }
0x9: {  	[smem:$0x3FA9] =	sst s1  }
0xa: {  	[smem:$0x3FAA] =	sst s2  }
0xb: {  	[smem:$0x3FAB] =	sst s3  }
0xc: {  	[smem:$0x3FAC] =	sst s4  }
0xd: {  	[smem:$0x3FAD] =	sst s5  }
0xe: {  	[smem:$0x3FAE] =	sst s6  }
0xf: {  	[smem:$0x3FAF] =	sst s7  }
0x10: {  	[smem:$0x3FB0] =	sst s8  }
0x11: {  	[smem:$0x3FB1] =	sst s9;
	s0 =	simm.s32 @!p0 $0x0  }
0x12: {  	s1 =	sld [smem:$0x3F97];
	s0 =	simm.s32 @p0 $0x1  }
0x13: {  	[smem:$0x3FB2] =	sst s0;
	s0 =	simm.s32 @!p1 $0x0  }
0x14: {  	s2 =	sld [smem:$0x3F96];
	s0 =	simm.s32 @p1 $0x1  }
0x15: {  	[smem:$0x3FB3] =	sst s0;
	s0 =	simm.s32 @!p2 $0x0  }
0x16: {  	s3 =	sld [smem:$0x3FDB];
	s0 =	simm.s32 @p2 $0x1  }
0x17: {  	s4 =	simm.s32 $0x1BF5;
	[smem:$0x3FB5] =	sst s0  }
0x18: {  	s0 =	sld [smem:$0x3F98];
	_ =	swait.ge [sflag:s4], $0x0  }
0x19: {  	s7 =	sld [smem:$0x3F99]  }
0x1a: {  	s8 =	sadd.s32 $0xFFFFE003, lr  }
0x1b: {  	s9 =	sadd.s32 $0xFFFFFEF7, lr;
	s5 =	simm.s32 $0xFFFFFFFF;
	p2 =	slt.u32 s8, $0xFFFFF086  }
0x1c: {  	p1 =	slt.u32 s9, $0xF7A;
	s5 =	simm.s32 @!p2 $0x0  }
0x1d: {  	s5 =	simm.s32 @p1 $0x1;
	p0 =	seq.s32 s7, s2  }
0x1e: {  	s7 =	smul.u32 @!p0 $0xF7A, s2;
	p2 =	seq.s32 @!p0 s5, $0x0  }
0x1f: {  	s9 =	smul.u32 $0xF7A, s1;
	s8 =	simm.s32 @!p0 $0x1BF5;
	p2 =	por !p2, p0  }
0x20: {  	[sflag:s8] =	ssyncset.s32 @!p0 $0xFFFFF086;
	s6 =	sadd.s32 @!p0 s3, s7;
	s7 =	simm.s32 @!p0 $0x108  }
0x21: {  	s3 =	sadd.s32 s3, s9;
	s6 =	sadd.s32 @!p0 $0x88, s6;
	s7 =	simm.s32 @p2 $0x1082  }
0x22: {  	[simem:s7], [sflag:s8] =	dma.local @!p0 [hbm:s6], $0xF7A  }
0x23: {  	s9 =	sor.u32 $0xD0000000, s2;
	s6 =	simm.s32 $0x108;
	_ =	swait.ge @!p0 [sflag:s8], $0x0  }
0x24: {  	s3 =	sadd.s32 $0x88, s3;
	s6 =	simm.s32 @!p1 $0x1082;
	[sflag:s4] =	ssyncset.s32 $0xFFFFF086  }
0x25: {  	[simem:s6], [sflag:s4] =	dma.local [hbm:s3], $0xF7A  }
0x26: {  	[smem:$0x3F99] =	sst s1;
	(tag) =	ssettag s2;
	_ =	strace s9  }
0x27: {  	s1 =	sld [smem:$0x3FA9]  }
0x28: {  	s2 =	sld [smem:$0x3FAA]  }
0x29: {  	s4 =	sld [smem:$0x3FAC]  }
0x2a: {  	p0 =	seq.s32 s5, $0x0;
	s5 =	sld [smem:$0x3FAD]  }
0x2b: {  	s6 =	sld [smem:$0x3FAE]  }
0x2c: {  	s7 =	sld [smem:$0x3FAF]  }
0x2d: {  	s3 =	simm.s32 $0x108;
	s8 =	sld [smem:$0x3FB0]  }
0x2e: {  	s3 =	simm.s32 @!p0 $0x1082;
	s9 =	sld [smem:$0x3FB1]  }
0x2f: {  	lr =	sadd.s32 s0, s3;
	s0 =	sld [smem:$0x3FA8]  }
0x30: {  	s3 =	sld [smem:$0x3FAB]  }
0x31: {  	[smem:$0x3FB4] =	sst s10  }
0x32: {  	s10 =	sld [smem:$0x3FB2];
	_ =	sdelay $0x3  }
0x33: {  	p0 =	seq.s32 s10, $0x1;
	s10 =	sld [smem:$0x3FB4];
	_ =	sdelay $0x3  }
0x34: {  	[smem:$0x3FB4] =	sst s10  }
0x35: {  	s10 =	sld [smem:$0x3FB3];
	_ =	sdelay $0x3  }
0x36: {  	p1 =	seq.s32 s10, $0x1;
	s10 =	sld [smem:$0x3FB4];
	_ =	sdelay $0x3  }
0x37: {  	[smem:$0x3FB4] =	sst s10  }
0x38: {  	s10 =	sld [smem:$0x3FB5]  }
0x39: {  	_ = 	snop;
	(pc) =	sbr.ind lr, $3  }
0x3a: {  	_ = 	snop  }
0x3b: {  	_ = 	snop  }
0x3c: {  	p2 =	seq.s32 s10, $0x1;
	s10 =	sld [smem:$0x3FB4]  }
0x3d: {  	_ =	shalt  }
0x3e: {  	_ =	shalt  }
0x3f: {  	_ =	shalt  }
0x40: {  	_ =	shalt  }
0x41: {  	_ =	shalt  }
0x42: {  	_ =	shalt  }
0x43: {  	_ =	shalt  }
0x44: {  	_ =	shalt  }
0x45: {  	_ =	shalt  }
0x46: {  	_ =	shalt  }
0x47: {  	_ =	shalt  }
0x48: {  	_ =	shalt  }
0x49: {  	_ =	shalt  }
0x4a: {  	_ =	shalt  }
0x4b: {  	_ =	shalt  }
0x4c: {  	_ =	shalt  }
0x4d: {  	_ =	shalt  }
0x4e: {  	_ =	shalt  }
0x4f: {  	_ =	shalt  }
0x50: {  	_ =	shalt  }
0x51: {  	_ =	shalt  }
0x52: {  	_ =	shalt  }
0x53: {  	_ =	shalt  }
0x54: {  	_ =	shalt  }
0x55: {  	_ =	shalt  }
0x56: {  	_ =	shalt  }
0x57: {  	_ =	shalt  }
0x58: {  	_ =	shalt  }
0x59: {  	_ =	shalt  }
0x5a: {  	_ =	shalt  }
0x5b: {  	_ =	shalt  }
0x5c: {  	_ =	shalt  }
0x5d: {  	_ =	shalt  }
0x5e: {  	_ =	shalt  }
0x5f: {  	_ =	shalt  }
0x60: {  	_ =	shalt  }
0x61: {  	_ =	shalt  }
0x62: {  	_ =	shalt  }
0x63: {  	_ =	shalt  }
0x64: {  	_ =	shalt  }
0x65: {  	_ =	shalt  }
0x66: {  	_ =	shalt  }
0x67: {  	_ =	shalt  }
0x68: {  	_ =	shalt  }
0x69: {  	_ =	shalt  }
0x6a: {  	_ =	shalt  }
0x6b: {  	_ =	shalt  }
0x6c: {  	_ =	shalt  }
0x6d: {  	_ =	shalt  }
0x6e: {  	_ =	shalt  }
0x6f: {  	_ =	shalt  }
0x70: {  	_ =	shalt  }
0x71: {  	_ =	shalt  }
0x72: {  	_ =	shalt  }
0x73: {  	_ =	shalt  }
0x74: {  	_ =	shalt  }
0x75: {  	_ =	shalt  }
0x76: {  	_ =	shalt  }
0x77: {  	_ =	shalt  }
0x78: {  	_ =	shalt  }
0x79: {  	_ =	shalt  }
0x7a: {  	_ =	shalt  }
0x7b: {  	_ =	shalt  }
0x7c: {  	_ =	shalt  }
0x7d: {  	_ =	shalt  }
0x7e: {  	_ =	shalt  }
0x7f: {  	_ =	shalt  }
0x80: {  	_ =	shalt  }
0x81: {  	_ =	shalt  }
0x82: {  	_ =	shalt  }
0x83: {  	_ =	shalt  }
0x84: {  	_ =	shalt  }
0x85: {  	_ =	shalt  }
0x86: {  	_ =	shalt  }
0x87: {  	_ =	shalt  }
.Lfunc_end0:
.L_simem_size_0:
called_computation.2_lowered:
.L_overlay_start_0:
0x88: {  	s2 =	sld [smem:$0x3FD9]  }
0x89: {  	s3 =	sld [smem:$0x3FFE];
	_ =	sdelay $0x1  }
0x8a: {  	s1 =	srdreg.scid  }
0x8b: {  	s0 =	sand.u32 $0x1, s1  }
0x8c: {  	s16 =	sshll.u32 s0, $0xA;
	s2 =	sadd.s32 s3, s2  }
0x8d: {  	s2 =	sadd.s32 s2, s16  }
0x8e: {  	[smem:$0x3FC0] =	sst s2  }
0x8f: {  	_ = 	snop  }
0x90: {  	(tm) =	ssettm $0x1  }
0x91: {  	s17 =	sld [smem:$0x3FFB];
	_ =	sdelay $0x3  }
0x92: {  	_ =	strace s17  }
0x93: {  	s2 =	sld [smem:$0x3FFC];
	_ =	sdelay $0x3  }
0x94: {  	_ =	strace s2  }
0x95: {  	s2 =	sld [smem:$0x3FFD];
	_ =	sdelay $0x3  }
0x96: {  	_ =	strace s2  }
0x97: {  	_ =	strace $0x8FFFFFFF  }
0x98: {  	s18 =	sld [smem:$0x3FDB];
	_ =	sdelay $0x1  }
0x99: {  	s19 =	simm.s32 $_scs_section_size  }
0x9a: {  	s4 =	simm.s32 $_size__tile_overlayer_lowered;
	s5 =	simm.s32 $_tile_overlayer_lowered  }
0x9b: {  	s22 =	simm.s32 $0x1BFF;
	s21 =	sshll.u32 s5, $0x1;
	s2 =	sadd.s32 s19, s18  }
0x9c: {  	s6 =	simm.s32 $0x0;
	s20 =	sshll.u32 s4, $0x1;
	s4 =	sadd.s32 s21, s2  }
0x9d: {  	[timem:s6], [sflag:s22] =	dma.local [hbm:s4], s20  }
0x9e: {  	_ =	swait.ge [sflag:s22], s20  }
0x9f: {  	s3 =	ssub.s32 $0x0, s20;
	[sflag:s22] =	ssyncset.done $0x0  }
0xa0: {  	[sflag:s22] =	ssyncadd.s32 s3;
	_ =	sdelay $0x1  }
0xa1: {  	s23 =	simm.s32 $0x1B8B  }
0xa2: {  	_ =	swait.ge [sflag:s23], $0x1  }
0xa3: {  	[sflag:s23] =	ssyncset.done $0x0  }
0xa4: {  	s25 =	simm.s32 $0x1B8E;
	s24 =	sld [smem:$0x3FFE];
	[sflag:s23] =	ssyncadd.s32 $0xFFFFFFFF  }
0xa5: {  	s26 =	simm.s32 $execute0_lowered;
	[smem:$0x3FD2] =	sst s25  }
0xa6: {  	s4 =	sshll.u32 s26, $0x1;
	_ =	strace $0x8000004C;
	[dreg:$0x1] =	wrdreg $0xFFFFFFFF  }
0xa7: {  	s28 =	simm.s32 $_size_execute0_lowered;
	s2 =	sadd.s32 s2, s4;
	[dreg:$0x0] =	wrdreg $0x0  }
0xa8: {  	s4 =	sshll.u32 s28, $0x1;
	[dreg:$0x2] =	wrdreg s2  }
0xa9: {  	[dreg:$0x3] =	wrdreg s4  }
0xaa: {  	[dreg:$0x4] =	wrdreg $0xC0  }
0xab: {  	_ =	task [dreg:s6], $0x5FFFF  }
0xac: {  	[dreg:$0x1] =	wrdreg $0xFFFFFFFF  }
0xad: {  	[dreg:$0x0] =	wrdreg $0x60  }
0xae: {  	[dreg:$0x2] =	wrdreg s24  }
0xaf: {  	[dreg:$0x3] =	wrdreg $0x49000  }
0xb0: {  	[dreg:$0x4] =	wrdreg $0x9  }
0xb1: {  	_ =	task.clear_ibuf [dreg:s6], $0x5FFFF;
	_ =	strace $0x9000004C  }
0xb2: {  	s29 =	simm.s32 $0x9;
	_ =	strace $0x8000004E  }
0xb3: {  	_ =	swait.ge [sflag:s29], $0x1  }
0xb4: {  	[sflag:s29] =	ssyncadd.s32 $0xFFFFFFFF  }
0xb5: {  	_ =	strace $0x9000004E  }
0xb6: {  	_ =	sfence  }
0xb7: {  	s30 =	sld [smem:$0x0];
	_ =	sdelay $0x2  }
0xb8: {  	s31 =	sshll.u32 s1, $0xD;
	s1 =	sshrl.u32 s1, $0x2  }
0xb9: {  	s3 =	sand.u32 $0x4000, s31;
	s1 =	sadd.s32 s1, s30  }
0xba: {  	s0 =	sor.u32 s3, s0;
	s1 =	sshll.u32 s1, $0x11  }
0xbb: {  	s0 =	sor.u32 s1, s0  }
0xbc: {  	s0 =	sadd.s32 $0x8F2B, s0  }
0xbd: {  	[sflag:s0] =	ssyncadd.remote.s32 $0x1  }
0xbe: {  	_ =	sfence.sel $0xFFFF  }
0xbf: {  	[dreg:$0x0] =	wrdreg $0xFFFFFFFF;
	(pc) =	sbr.abs _section_cstart, $3  }
0xc0: {  	[dreg:$0x1] =	wrdreg $0xFFFFFFFF  }
0xc1: {  	_ =	task.clear_ibuf [dreg:s6], $0x2FFFF;
	_ =	strace $0x9FFFFFFF  }
0xc2: {  	(tm) =	ssettm $0x7FFFFFFF  }
0xc3: {  	_ =	shalt  }
tec
execute0_lowered:
.L_overlay_start_1:
0x0: {  	(tag) =	ssettag $0x1  }
0x1: {  	s5 =	rddreg [dreg:$0x0];
	s0 =	srdreg.scid  }
0x2: {  	s1 =	rddreg [dreg:$0x1];
	s3 =	simm.s32 $0x0;
	s2 =	stileid.u32  }
0x3: {  	s12 =	simm.s32 $0x80;
	s13 =	simm.s32 $0x100;
	s9 =	smul.u32 $0x14000, s2  }
0x4: {  	s14 =	simm.s32 $0x1;
	s17 =	simm.s32 $0x0;
	s29 =	smul.u32 $0x50000, s2  }
0x5: {  	s6 =	sand.u32 $0x1, s0;
	s0 =	rddreg [dreg:$0x2];
	s11 =	smul.u32 $0x500, s2  }
0x6: {  	[smem:$0x7FF] =	sst s3;
	s4 =	sadd.s32 $0x16C00, s5;
	s7 =	smul.u32 $0x5000, s6  }
0x7: {  	s15 =	sshll.u32 s2, $0x6;
	s8 =	smul.u32 $0x140000, s6;
	s6 =	ssub.s32 $0x2, s6  }
0x8: {  	_ =	strace $0x8000004D;
	s15 =	sor.u32 $0x1C02, s15;
	s10 =	sshrl.u32 s6, $0x1  }
0x9: {  	s30 =	sshrl.u32 s29, $0x2;
	s7 =	sadd.s32 s7, s5;
	s8 =	sadd.s32 s9, s8  }
0xa: {  	s10 =	ssub.s32 s6, s10;
	s8 =	sshrl.u32 s8, $0x3;
	s31 =	sadd.s32 s11, s7  }
0xb: {  	s7 =	smax.u32 s10, $0x1;
	s10 =	simm.s32 $0x4100;
	s11 =	simm.s32 $0x2  }
0xc: {  	s8 =	sadd.s32 s8, s5;
	s5 =	sadd.s32 s30, s1;
	s9 =	sadd.s32 $0xCC00, s31  }
0xd: {  	v0 =	vimm.f32 $0.0e+00;
	s6 =	sadd.s32 $0x3DE00, s8;
	s8 =	sadd.s32 $0x2200, s31;
	s16 =	sshrl.u32 s5, $0x3  }
.LBB2_1:
0xe: {  	s18 =	simm.s32 $0x0;
	s19 =	simm.s32 $0x200  }
.LBB2_2:
0xf: {  	p0 =	sne.s32 s19, $0x1E00;
	[tilespmem:s18+$0x4170] =	vst v0  }
0x10: {  	[tilespmem:s18+$0x4100] =	vst v0  }
0x11: {  	[tilespmem:s18+$0x4110] =	vst v0  }
.Ltmp0:
0x12: {  	[tilespmem:s18+$0x4120] =	vst v0;
	(pc) =	sbr.rel @p0 .LBB2_2-.Ltmp0, $4  }
0x13: {  	[tilespmem:s18+$0x4130] =	vst v0  }
0x14: {  	[tilespmem:s18+$0x4140] =	vst v0  }
0x15: {  	[tilespmem:s18+$0x4150] =	vst v0  }
0x16: {  	[tilespmem:s18+$0x4160] =	vst v0;
	s18 =	sshra.s32 s19, $0x2;
	s19 =	sadd.s32 $0x200, s19  }
0x17: {  	[tilespmem:s18+$0x4170] =	vst v0  }
0x18: {  	[tilespmem:s18+$0x4100] =	vst v0  }
0x19: {  	[tilespmem:s18+$0x4110] =	vst v0  }
0x1a: {  	[tilespmem:s18+$0x4120] =	vst v0  }
0x1b: {  	[tilespmem:s18+$0x4130] =	vst v0  }
0x1c: {  	[tilespmem:s18+$0x4140] =	vst v0  }
0x1d: {  	[tilespmem:s18+$0x4150] =	vst v0  }
0x1e: {  	[tilespmem:s18+$0x4160] =	vst v0;
	s31 =	sadd.s32 $0x0, s5  }
0x1f: {  	[spmem:s31] =	stream.linear.scatter [tilespmem:s10], [sflag:$0x2], $0x800, $0x38;
	[tilespmem:$0x18900] =	vst v63  }
0x20: {  	s18 =	simm.s32 $0x2000;
	_ =	swait.ge [sflag:s11], $0x800  }
.LBB2_4:
0x21: {  	s19 =	sshra.s32 s18, $0x2;
	[sflag:s11] =	ssyncset.done $0x0;
	p0 =	sne.s32 s18, $0x4E000  }
.Ltmp1:
0x22: {  	s19 =	sadd.s32 s19, s5;
	[sflag:s11] =	ssyncadd.s32 $0xFFFFF800;
	(pc) =	sbr.rel @p0 .LBB2_4-.Ltmp1, $3  }
0x23: {  	[spmem:s19] =	stream.linear.scatter [tilespmem:s10], [sflag:$0x2], $0x800, $0x38;
	[tilespmem:$0x18900] =	vst v63  }
0x24: {  	s18 =	sadd.s32 $0x2000, s18;
	_ =	sdelay $0x1  }
0x25: {  	_ =	swait.ge [sflag:s11], $0x800  }
0x26: {  	[sflag:s11] =	ssyncset.done $0x0  }
0x27: {  	[sflag:s11] =	ssyncadd.s32 $0xFFFFF800  }
0x28: {  	s18 =	sadd.s32 $0x0, s9;
	[bflag:$0x0] =	sbarrier.arrive $0xFFFF  }
0x29: {  	[tilespmem:s3], [sflag:$0x2] =	stream.linear.gather [hbm4b:s18+s3], $0x80, $0x38;
	[tilespmem:$0x18900] =	vst v63  }
0x2a: {  	_ =	swait.ge [sflag:s11], $0x80  }
0x2b: {  	[sflag:s11] =	ssyncset.done $0x0  }
0x2c: {  	s31 =	sadd.s32 $0x0, s8;
	[sflag:s11] =	ssyncadd.s32 $0xFFFFFF80  }
0x2d: {  	[tilespmem:s12], [sflag:$0x2] =	stream.linear.gather [hbm4b:s31+s3], $0x80, $0x38;
	[tilespmem:$0x18900] =	vst v63  }
0x2e: {  	_ =	swait.ge [sflag:s11], $0x80  }
0x2f: {  	[sflag:s11] =	ssyncset.done $0x0  }
0x30: {  	[sflag:s11] =	ssyncadd.s32 $0xFFFFFF80  }
0x31: {  	[tilespmem:s13], [sflag:$0x1] =	stream.indirect.gather [hbm4b:s4+s12], $0x80, s3, s12, $0xb8;
	[tilespmem:$0x18900] =	vst v63  }
0x32: {  	_ =	swait.ge [sflag:s14], $0x4000  }
0x33: {  	[sflag:s14] =	ssyncset.done $0x0  }
0x34: {  	[sflag:s14] =	ssyncadd.s32 $0xFFFFC000  }
0x35: {  	[spmem:s1] =	stream.indirect.scatter.add.f32 [tilespmem:s13], [sflag:$0x2], $0x80, s12, s12, $0xb8;
	[tilespmem:$0x18900] =	vst v63  }
0x36: {  	_ =	swait.ge [sflag:s11], $0x4000  }
0x37: {  	s19 =	simm.s32 $0x20;
	s18 =	simm.s32 $0x10;
	[sflag:s11] =	ssyncset.done $0x0  }
.LBB2_6:
0x38: {  	s20 =	sadd.s32 s18, s9  }
0x39: {  	[sflag:s11] =	ssyncadd.s32 $0xFFFFC000;
	s21 =	smov.u32 s19;
	s22 =	sadd.s32 $0x10, s19  }
0x3a: {  	[tilespmem:s3], [sflag:$0x2] =	stream.linear.gather [hbm4b:s20+s3], $0x80, $0x38;
	[tilespmem:$0x18900] =	vst v63  }
0x3b: {  	p0 =	sne.s32 s19, $0x4F0;
	_ =	swait.ge [sflag:s11], $0x80  }
0x3c: {  	[sflag:s11] =	ssyncset.done $0x0  }
0x3d: {  	s19 =	sadd.s32 s18, s8;
	s18 =	smov.u32 s21;
	[sflag:s11] =	ssyncadd.s32 $0xFFFFFF80  }
0x3e: {  	[tilespmem:s12], [sflag:$0x2] =	stream.linear.gather [hbm4b:s19+s3], $0x80, $0x38;
	[tilespmem:$0x18900] =	vst v63  }
0x3f: {  	_ =	swait.ge [sflag:s11], $0x80  }
0x40: {  	[sflag:s11] =	ssyncset.done $0x0  }
0x41: {  	[sflag:s11] =	ssyncadd.s32 $0xFFFFFF80  }
0x42: {  	[tilespmem:s13], [sflag:$0x1] =	stream.indirect.gather [hbm4b:s4+s12], $0x80, s3, s12, $0xb8;
	[tilespmem:$0x18900] =	vst v63  }
0x43: {  	_ =	swait.ge [sflag:s14], $0x4000  }
.Ltmp2:
0x44: {  	[sflag:s14] =	ssyncset.done $0x0;
	(pc) =	sbr.rel @p0 .LBB2_6-.Ltmp2, $4  }
0x45: {  	[sflag:s14] =	ssyncadd.s32 $0xFFFFC000  }
0x46: {  	[spmem:s1] =	stream.indirect.scatter.add.f32 [tilespmem:s13], [sflag:$0x2], $0x80, s12, s12, $0xb8;
	[tilespmem:$0x18900] =	vst v63  }
0x47: {  	_ =	swait.ge [sflag:s11], $0x4000  }
0x48: {  	s19 =	smov.u32 s22;
	[sflag:s11] =	ssyncset.done $0x0  }
0x49: {  	s19 =	sadd.s32 s18, s9;
	[sflag:s11] =	ssyncadd.s32 $0xFFFFC000  }
0x4a: {  	[tilespmem:s3], [sflag:$0x2] =	stream.linear.gather [hbm4b:s19+s3], $0x80, $0x38;
	[tilespmem:$0x18900] =	vst v63  }
0x4b: {  	_ =	swait.ge [sflag:s11], $0x80  }
0x4c: {  	[sflag:s11] =	ssyncset.done $0x0  }
0x4d: {  	s31 =	sadd.s32 s18, s8;
	[sflag:s11] =	ssyncadd.s32 $0xFFFFFF80  }
0x4e: {  	[tilespmem:s12], [sflag:$0x2] =	stream.linear.gather [hbm4b:s31+s3], $0x80, $0x38;
	[tilespmem:$0x18900] =	vst v63  }
0x4f: {  	_ =	swait.ge [sflag:s11], $0x80  }
0x50: {  	[sflag:s11] =	ssyncset.done $0x0  }
0x51: {  	[sflag:s11] =	ssyncadd.s32 $0xFFFFFF80  }
0x52: {  	[tilespmem:s13], [sflag:$0x1] =	stream.indirect.gather [hbm4b:s4+s12], $0x80, s3, s12, $0xb8;
	[tilespmem:$0x18900] =	vst v63  }
0x53: {  	_ =	swait.ge [sflag:s14], $0x4000  }
0x54: {  	[sflag:s14] =	ssyncset.done $0x0  }
0x55: {  	[sflag:s14] =	ssyncadd.s32 $0xFFFFC000  }
0x56: {  	[spmem:s1] =	stream.indirect.scatter.add.f32 [tilespmem:s13], [sflag:$0x2], $0x80, s12, s12, $0xb8;
	[tilespmem:$0x18900] =	vst v63  }
0x57: {  	_ =	swait.ge [sflag:s11], $0x4000  }
0x58: {  	s17 =	sadd.s32 $0x1, s17;
	[sflag:s11] =	ssyncset.done $0x0  }
0x59: {  	p0 =	sne.s32 s17, s7;
	[sflag:s11] =	ssyncadd.s32 $0xFFFFC000  }
.Ltmp3:
0x5a: {  	[bflag:$0x0] =	sbarrier.arrive $0xFFFF;
	(pc) =	sbr.rel @p0 .LBB2_1-.Ltmp3, $4  }
0x5b: {  	[hbm:s6], [sflag:s15] =	dma.local [spmem:s16], $0x2800  }
0x5c: {  	_ =	swait.ge [sflag:s11], $0x2800  }
0x5d: {  	[sflag:s11] =	ssyncset.done $0x0  }
0x5e: {  	[sflag:s11] =	ssyncadd.s32 $0xFFFFD800  }
0x5f: {  	_ =	sfence.sel $0x180000  }
0x60: {  	[bflag:$0x0] =	sbarrier.arrive $0xFFFF  }
0x61: {  	p0 =	sne.s32 s2, $0x0;
	_ =	strace $0x9000004D  }
0x62: {  	s0 =	sadd.s32 @!p0 $0x100000, s0;
	[bflag:$0x2] =	sbarrier.arrive $0xFFFF  }
0x63: {  	[sflag:s0] =	ssyncadd.tile.s32 @!p0 $0x1;
	_ =	shalt  }
.Lfunc_end2:
_tile_overlayer_lowered:
.L_overlay_start_2:
0x64: {  	(tag) =	ssettag $0x2  }
0x65: {  	s0 =	rddreg [dreg:$0x0];
	s2 =	stileid.u32  }
0x66: {  	s1 =	rddreg [dreg:$0x1];
	p0 =	sne.s32 s2, $0x0  }
0x67: {  	s3 =	rddreg [dreg:$0x2];
	[bflag:$0x3] =	sbarrier.arrive $0xFFFF;
	s2 =	simm.s32 @!p0 $0x1C02  }
0x68: {  	[timem:s3], [sflag:s2] =	dma.local @!p0 [hbm:s0], s1  }
0x69: {  	s0 =	simm.s32 @!p0 $0x2  }
0x6a: {  	_ =	swait.ge @!p0 [sflag:s0], s1  }
0x6b: {  	s1 =	ssub.s32 @!p0 $0x0, s1;
	[sflag:s0] =	ssyncset.done @!p0 $0x0  }
0x6c: {  	[sflag:s0] =	ssyncadd.s32 @!p0 s1  }
0x6d: {  	[bflag:$0x3] =	sbarrier.arrive $0xFFFF  }
0x6e: {  	_ =	shalt  }

// kernel: kernel.8.cloned.1.call-start
scs
__scs_entry_jumppad:
0x0: {  	(pc) =	sbr.rel $0x88, $3  }
0x1: {  	(tag) =	ssettag $0x0;
	lr =	simm.s32 $0x1  }
0x2: {  	[smem:$0x3F99] =	sst lr;
	_ =	strace $0xD0000000  }
0x3: {  	_ = 	snop  }
0x4: {  	_ = 	snop  }
0x5: {  	_ = 	snop  }
0x6: {  	_ = 	snop  }
0x7: {  	_ = 	snop  }
__scs_overlays_trampoline_lowered:
0x8: {  	[smem:$0x3FA8] =	sst s0  }
0x9: {  	[smem:$0x3FA9] =	sst s1  }
0xa: {  	[smem:$0x3FAA] =	sst s2  }
0xb: {  	[smem:$0x3FAB] =	sst s3  }
0xc: {  	[smem:$0x3FAC] =	sst s4  }
0xd: {  	[smem:$0x3FAD] =	sst s5  }
0xe: {  	[smem:$0x3FAE] =	sst s6  }
0xf: {  	[smem:$0x3FAF] =	sst s7  }
0x10: {  	[smem:$0x3FB0] =	sst s8  }
0x11: {  	[smem:$0x3FB1] =	sst s9;
	s0 =	simm.s32 @!p0 $0x0  }
0x12: {  	s1 =	sld [smem:$0x3F97];
	s0 =	simm.s32 @p0 $0x1  }
0x13: {  	[smem:$0x3FB2] =	sst s0;
	s0 =	simm.s32 @!p1 $0x0  }
0x14: {  	s2 =	sld [smem:$0x3F96];
	s0 =	simm.s32 @p1 $0x1  }
0x15: {  	[smem:$0x3FB3] =	sst s0;
	s0 =	simm.s32 @!p2 $0x0  }
0x16: {  	s3 =	sld [smem:$0x3FDB];
	s0 =	simm.s32 @p2 $0x1  }
0x17: {  	s4 =	simm.s32 $0x1BF5;
	[smem:$0x3FB5] =	sst s0  }
0x18: {  	s0 =	sld [smem:$0x3F98];
	_ =	swait.ge [sflag:s4], $0x0  }
0x19: {  	s7 =	sld [smem:$0x3F99]  }
0x1a: {  	s8 =	sadd.s32 $0xFFFFE003, lr  }
0x1b: {  	s9 =	sadd.s32 $0xFFFFFEF7, lr;
	s5 =	simm.s32 $0xFFFFFFFF;
	p2 =	slt.u32 s8, $0xFFFFF086  }
0x1c: {  	p1 =	slt.u32 s9, $0xF7A;
	s5 =	simm.s32 @!p2 $0x0  }
0x1d: {  	s5 =	simm.s32 @p1 $0x1;
	p0 =	seq.s32 s7, s2  }
0x1e: {  	s7 =	smul.u32 @!p0 $0xF7A, s2;
	p2 =	seq.s32 @!p0 s5, $0x0  }
0x1f: {  	s9 =	smul.u32 $0xF7A, s1;
	s8 =	simm.s32 @!p0 $0x1BF5;
	p2 =	por !p2, p0  }
0x20: {  	[sflag:s8] =	ssyncset.s32 @!p0 $0xFFFFF086;
	s6 =	sadd.s32 @!p0 s3, s7;
	s7 =	simm.s32 @!p0 $0x108  }
0x21: {  	s3 =	sadd.s32 s3, s9;
	s6 =	sadd.s32 @!p0 $0x88, s6;
	s7 =	simm.s32 @p2 $0x1082  }
0x22: {  	[simem:s7], [sflag:s8] =	dma.local @!p0 [hbm:s6], $0xF7A  }
0x23: {  	s9 =	sor.u32 $0xD0000000, s2;
	s6 =	simm.s32 $0x108;
	_ =	swait.ge @!p0 [sflag:s8], $0x0  }
0x24: {  	s3 =	sadd.s32 $0x88, s3;
	s6 =	simm.s32 @!p1 $0x1082;
	[sflag:s4] =	ssyncset.s32 $0xFFFFF086  }
0x25: {  	[simem:s6], [sflag:s4] =	dma.local [hbm:s3], $0xF7A  }
0x26: {  	[smem:$0x3F99] =	sst s1;
	(tag) =	ssettag s2;
	_ =	strace s9  }
0x27: {  	s1 =	sld [smem:$0x3FA9]  }
0x28: {  	s2 =	sld [smem:$0x3FAA]  }
0x29: {  	s4 =	sld [smem:$0x3FAC]  }
0x2a: {  	p0 =	seq.s32 s5, $0x0;
	s5 =	sld [smem:$0x3FAD]  }
0x2b: {  	s6 =	sld [smem:$0x3FAE]  }
0x2c: {  	s7 =	sld [smem:$0x3FAF]  }
0x2d: {  	s3 =	simm.s32 $0x108;
	s8 =	sld [smem:$0x3FB0]  }
0x2e: {  	s3 =	simm.s32 @!p0 $0x1082;
	s9 =	sld [smem:$0x3FB1]  }
0x2f: {  	lr =	sadd.s32 s0, s3;
	s0 =	sld [smem:$0x3FA8]  }
0x30: {  	s3 =	sld [smem:$0x3FAB]  }
0x31: {  	[smem:$0x3FB4] =	sst s10  }
0x32: {  	s10 =	sld [smem:$0x3FB2];
	_ =	sdelay $0x3  }
0x33: {  	p0 =	seq.s32 s10, $0x1;
	s10 =	sld [smem:$0x3FB4];
	_ =	sdelay $0x3  }
0x34: {  	[smem:$0x3FB4] =	sst s10  }
0x35: {  	s10 =	sld [smem:$0x3FB3];
	_ =	sdelay $0x3  }
0x36: {  	p1 =	seq.s32 s10, $0x1;
	s10 =	sld [smem:$0x3FB4];
	_ =	sdelay $0x3  }
0x37: {  	[smem:$0x3FB4] =	sst s10  }
0x38: {  	s10 =	sld [smem:$0x3FB5]  }
0x39: {  	_ = 	snop;
	(pc) =	sbr.ind lr, $3  }
0x3a: {  	_ = 	snop  }
0x3b: {  	_ = 	snop  }
0x3c: {  	p2 =	seq.s32 s10, $0x1;
	s10 =	sld [smem:$0x3FB4]  }
0x3d: {  	_ =	shalt  }
0x3e: {  	_ =	shalt  }
0x3f: {  	_ =	shalt  }
0x40: {  	_ =	shalt  }
0x41: {  	_ =	shalt  }
0x42: {  	_ =	shalt  }
0x43: {  	_ =	shalt  }
0x44: {  	_ =	shalt  }
0x45: {  	_ =	shalt  }
0x46: {  	_ =	shalt  }
0x47: {  	_ =	shalt  }
0x48: {  	_ =	shalt  }
0x49: {  	_ =	shalt  }
0x4a: {  	_ =	shalt  }
0x4b: {  	_ =	shalt  }
0x4c: {  	_ =	shalt  }
0x4d: {  	_ =	shalt  }
0x4e: {  	_ =	shalt  }
0x4f: {  	_ =	shalt  }
0x50: {  	_ =	shalt  }
0x51: {  	_ =	shalt  }
0x52: {  	_ =	shalt  }
0x53: {  	_ =	shalt  }
0x54: {  	_ =	shalt  }
0x55: {  	_ =	shalt  }
0x56: {  	_ =	shalt  }
0x57: {  	_ =	shalt  }
0x58: {  	_ =	shalt  }
0x59: {  	_ =	shalt  }
0x5a: {  	_ =	shalt  }
0x5b: {  	_ =	shalt  }
0x5c: {  	_ =	shalt  }
0x5d: {  	_ =	shalt  }
0x5e: {  	_ =	shalt  }
0x5f: {  	_ =	shalt  }
0x60: {  	_ =	shalt  }
0x61: {  	_ =	shalt  }
0x62: {  	_ =	shalt  }
0x63: {  	_ =	shalt  }
0x64: {  	_ =	shalt  }
0x65: {  	_ =	shalt  }
0x66: {  	_ =	shalt  }
0x67: {  	_ =	shalt  }
0x68: {  	_ =	shalt  }
0x69: {  	_ =	shalt  }
0x6a: {  	_ =	shalt  }
0x6b: {  	_ =	shalt  }
0x6c: {  	_ =	shalt  }
0x6d: {  	_ =	shalt  }
0x6e: {  	_ =	shalt  }
0x6f: {  	_ =	shalt  }
0x70: {  	_ =	shalt  }
0x71: {  	_ =	shalt  }
0x72: {  	_ =	shalt  }
0x73: {  	_ =	shalt  }
0x74: {  	_ =	shalt  }
0x75: {  	_ =	shalt  }
0x76: {  	_ =	shalt  }
0x77: {  	_ =	shalt  }
0x78: {  	_ =	shalt  }
0x79: {  	_ =	shalt  }
0x7a: {  	_ =	shalt  }
0x7b: {  	_ =	shalt  }
0x7c: {  	_ =	shalt  }
0x7d: {  	_ =	shalt  }
0x7e: {  	_ =	shalt  }
0x7f: {  	_ =	shalt  }
0x80: {  	_ =	shalt  }
0x81: {  	_ =	shalt  }
0x82: {  	_ =	shalt  }
0x83: {  	_ =	shalt  }
0x84: {  	_ =	shalt  }
0x85: {  	_ =	shalt  }
0x86: {  	_ =	shalt  }
0x87: {  	_ =	shalt  }
.Lfunc_end0:
.L_simem_size_0:
called_computation_lowered:
.L_overlay_start_0:
0x88: {  	s2 =	sld [smem:$0x3FD9]  }
0x89: {  	s3 =	sld [smem:$0x3FFE];
	_ =	sdelay $0x1  }
0x8a: {  	s1 =	srdreg.scid  }
0x8b: {  	s0 =	sand.u32 $0x1, s1  }
0x8c: {  	s16 =	sshll.u32 s0, $0xA;
	s2 =	sadd.s32 s3, s2  }
0x8d: {  	s2 =	sadd.s32 s2, s16  }
0x8e: {  	[smem:$0x3FC0] =	sst s2  }
0x8f: {  	_ = 	snop  }
0x90: {  	(tm) =	ssettm $0x1  }
0x91: {  	s17 =	sld [smem:$0x3FFB];
	_ =	sdelay $0x3  }
0x92: {  	_ =	strace s17  }
0x93: {  	s2 =	sld [smem:$0x3FFC];
	_ =	sdelay $0x3  }
0x94: {  	_ =	strace s2  }
0x95: {  	s2 =	sld [smem:$0x3FFD];
	_ =	sdelay $0x3  }
0x96: {  	_ =	strace s2  }
0x97: {  	_ =	strace $0x8FFFFFFF  }
0x98: {  	s18 =	sld [smem:$0x3FDB];
	_ =	sdelay $0x1  }
0x99: {  	s19 =	simm.s32 $_scs_section_size  }
0x9a: {  	s4 =	simm.s32 $_size__tile_overlayer_lowered;
	s5 =	simm.s32 $_tile_overlayer_lowered  }
0x9b: {  	s22 =	simm.s32 $0x1BFF;
	s21 =	sshll.u32 s5, $0x1;
	s2 =	sadd.s32 s19, s18  }
0x9c: {  	s6 =	simm.s32 $0x0;
	s20 =	sshll.u32 s4, $0x1;
	s4 =	sadd.s32 s21, s2  }
0x9d: {  	[timem:s6], [sflag:s22] =	dma.local [hbm:s4], s20  }
0x9e: {  	_ =	swait.ge [sflag:s22], s20  }
0x9f: {  	s3 =	ssub.s32 $0x0, s20;
	[sflag:s22] =	ssyncset.done $0x0  }
0xa0: {  	[sflag:s22] =	ssyncadd.s32 s3;
	_ =	sdelay $0x1  }
0xa1: {  	s23 =	simm.s32 $0x1B8B  }
0xa2: {  	_ =	swait.ge [sflag:s23], $0x1  }
0xa3: {  	[sflag:s23] =	ssyncset.done $0x0  }
0xa4: {  	s25 =	simm.s32 $0x1B8E;
	s24 =	sld [smem:$0x3FFE];
	[sflag:s23] =	ssyncadd.s32 $0xFFFFFFFF  }
0xa5: {  	s26 =	simm.s32 $execute0_lowered;
	[smem:$0x3FD2] =	sst s25  }
0xa6: {  	s4 =	sshll.u32 s26, $0x1;
	_ =	strace $0x80000046;
	[dreg:$0x1] =	wrdreg $0xFFFFFFFF  }
0xa7: {  	s28 =	simm.s32 $_size_execute0_lowered;
	s2 =	sadd.s32 s2, s4;
	[dreg:$0x0] =	wrdreg $0x0  }
0xa8: {  	s4 =	sshll.u32 s28, $0x1;
	[dreg:$0x2] =	wrdreg s2  }
0xa9: {  	[dreg:$0x3] =	wrdreg s4  }
0xaa: {  	[dreg:$0x4] =	wrdreg $0xC0  }
0xab: {  	_ =	task [dreg:s6], $0x5FFFF  }
0xac: {  	[dreg:$0x1] =	wrdreg $0xFFFFFFFF  }
0xad: {  	[dreg:$0x0] =	wrdreg $0x60  }
0xae: {  	[dreg:$0x2] =	wrdreg s24  }
0xaf: {  	[dreg:$0x3] =	wrdreg $0x3800  }
0xb0: {  	[dreg:$0x4] =	wrdreg $0x9  }
0xb1: {  	_ =	task.clear_ibuf [dreg:s6], $0x5FFFF;
	_ =	strace $0x90000046  }
0xb2: {  	s29 =	simm.s32 $0x9;
	_ =	strace $0x80000048  }
0xb3: {  	_ =	swait.ge [sflag:s29], $0x1  }
0xb4: {  	[sflag:s29] =	ssyncadd.s32 $0xFFFFFFFF  }
0xb5: {  	_ =	strace $0x90000048  }
0xb6: {  	_ =	sfence  }
0xb7: {  	s30 =	sld [smem:$0x0];
	_ =	sdelay $0x2  }
0xb8: {  	s31 =	sshll.u32 s1, $0xD;
	s1 =	sshrl.u32 s1, $0x2  }
0xb9: {  	s3 =	sand.u32 $0x4000, s31;
	s1 =	sadd.s32 s1, s30  }
0xba: {  	s0 =	sor.u32 s3, s0;
	s1 =	sshll.u32 s1, $0x11  }
0xbb: {  	s0 =	sor.u32 s1, s0  }
0xbc: {  	s0 =	sadd.s32 $0x8F2B, s0  }
0xbd: {  	[sflag:s0] =	ssyncadd.remote.s32 $0x1  }
0xbe: {  	_ =	sfence.sel $0xFFFF  }
0xbf: {  	[dreg:$0x0] =	wrdreg $0xFFFFFFFF;
	(pc) =	sbr.abs _section_cstart, $3  }
0xc0: {  	[dreg:$0x1] =	wrdreg $0xFFFFFFFF  }
0xc1: {  	_ =	task.clear_ibuf [dreg:s6], $0x2FFFF;
	_ =	strace $0x9FFFFFFF  }
0xc2: {  	(tm) =	ssettm $0x7FFFFFFF  }
0xc3: {  	_ =	shalt  }
tec
execute0_lowered:
.L_overlay_start_1:
0x0: {  	(tag) =	ssettag $0x1  }
0x1: {  	s4 =	rddreg [dreg:$0x0]  }
0x2: {  	s2 =	rddreg [dreg:$0x1]  }
0x3: {  	s0 =	rddreg [dreg:$0x2]  }
0x4: {  	s5 =	srdreg.scid;
	s1 =	stileid.u32  }
0x5: {  	s3 =	simm.s32 $0x0;
	s13 =	simm.s32 $0x20;
	s14 =	simm.s32 $0x10  }
0x6: {  	s15 =	simm.s32 $0x0;
	s5 =	sand.u32 $0x1, s5;
	s6 =	smul.u32 $0x500, s1  }
0x7: {  	[smem:$0x7FF] =	sst s3;
	s9 =	smul.u32 $0xA00, s1;
	s11 =	sshll.u32 s1, $0x6  }
0x8: {  	s7 =	smul.u32 $0x5000, s5;
	s8 =	sshll.u32 s5, $0x7;
	_ =	strace $0x80000047  }
0x9: {  	s5 =	ssub.s32 $0x2, s5;
	s11 =	sor.u32 $0x1C01, s11;
	s8 =	sor.u32 s8, s6  }
0xa: {  	s31 =	sshrl.u32 s5, $0x1;
	s9 =	sshrl.u32 s9, $0x2;
	s8 =	sshrl.u32 s8, $0x3  }
0xb: {  	s7 =	sadd.s32 s7, s4;
	s10 =	ssub.s32 s5, s31;
	s8 =	sadd.s32 s8, s4  }
0xc: {  	s4 =	sadd.s32 s9, s2;
	s7 =	sadd.s32 s6, s7;
	s6 =	smax.u32 s10, $0x1  }
0xd: {  	s9 =	simm.s32 $0x1;
	s10 =	simm.s32 $0x80;
	s5 =	sadd.s32 $0xC200, s8  }
0xe: {  	v0 =	vimm.f32 $1.000000000e+00;
	v1 =	vimm.f32 $0.0e+00;
	s7 =	sadd.s32 $0x2200, s7;
	s8 =	simm.s32 $0x100;
	s12 =	sshrl.u32 s4, $0x3  }
.LBB2_1:
0xf: {  	[tilespmem:$0x80] =	vst v0  }
0x10: {  	[tilespmem:$0x90] =	vst v0  }
0x11: {  	[tilespmem:$0xA0] =	vst v0  }
0x12: {  	[tilespmem:$0xB0] =	vst v0  }
0x13: {  	[tilespmem:$0xC0] =	vst v0  }
0x14: {  	[tilespmem:$0xD0] =	vst v0  }
0x15: {  	[tilespmem:$0xE0] =	vst v0  }
0x16: {  	[tilespmem:$0xF0] =	vst v0  }
0x17: {  	[tilespmem:$0x100] =	vst v1  }
0x18: {  	[tilespmem:$0x110] =	vst v1  }
0x19: {  	[tilespmem:$0x120] =	vst v1  }
0x1a: {  	[tilespmem:$0x130] =	vst v1  }
0x1b: {  	[tilespmem:$0x140] =	vst v1  }
0x1c: {  	[tilespmem:$0x150] =	vst v1  }
0x1d: {  	[tilespmem:$0x160] =	vst v1  }
0x1e: {  	[tilespmem:$0x170] =	vst v1  }
0x1f: {  	[tilespmem:$0x180] =	vst v1  }
0x20: {  	[tilespmem:$0x190] =	vst v1  }
0x21: {  	[tilespmem:$0x1A0] =	vst v1  }
0x22: {  	[tilespmem:$0x1B0] =	vst v1  }
0x23: {  	[tilespmem:$0x1C0] =	vst v1  }
0x24: {  	[tilespmem:$0x1D0] =	vst v1  }
0x25: {  	[tilespmem:$0x1E0] =	vst v1  }
0x26: {  	[tilespmem:$0x1F0] =	vst v1  }
0x27: {  	[tilespmem:$0x200] =	vst v1  }
0x28: {  	[tilespmem:$0x210] =	vst v1  }
0x29: {  	[tilespmem:$0x220] =	vst v1  }
0x2a: {  	[tilespmem:$0x230] =	vst v1  }
0x2b: {  	[tilespmem:$0x240] =	vst v1  }
0x2c: {  	[tilespmem:$0x250] =	vst v1  }
0x2d: {  	[tilespmem:$0x260] =	vst v1  }
0x2e: {  	[tilespmem:$0x270] =	vst v1  }
0x2f: {  	[tilespmem:$0x280] =	vst v1  }
0x30: {  	[tilespmem:$0x290] =	vst v1  }
0x31: {  	[tilespmem:$0x2A0] =	vst v1  }
0x32: {  	[tilespmem:$0x2B0] =	vst v1  }
0x33: {  	[tilespmem:$0x2C0] =	vst v1  }
0x34: {  	[tilespmem:$0x2D0] =	vst v1  }
0x35: {  	[tilespmem:$0x2E0] =	vst v1  }
0x36: {  	[tilespmem:$0x2F0] =	vst v1  }
0x37: {  	[tilespmem:$0x300] =	vst v1  }
0x38: {  	[tilespmem:$0x310] =	vst v1  }
0x39: {  	[tilespmem:$0x320] =	vst v1  }
0x3a: {  	[tilespmem:$0x330] =	vst v1  }
0x3b: {  	[tilespmem:$0x340] =	vst v1  }
0x3c: {  	[tilespmem:$0x350] =	vst v1  }
0x3d: {  	[tilespmem:$0x360] =	vst v1  }
0x3e: {  	[tilespmem:$0x370] =	vst v1  }
0x3f: {  	[spmem:s4] =	stream.linear.scatter [tilespmem:s8], [sflag:$0x1], $0x280, $0x38;
	[tilespmem:$0x600] =	vst v63  }
0x40: {  	_ =	swait.ge [sflag:s9], $0x280  }
0x41: {  	[sflag:s9] =	ssyncset.done $0x0  }
0x42: {  	[sflag:s9] =	ssyncadd.s32 $0xFFFFFD80  }
0x43: {  	s16 =	sadd.s32 $0x0, s7;
	[bflag:$0x0] =	sbarrier.arrive $0xFFFF  }
0x44: {  	[tilespmem:s3], [sflag:$0x1] =	stream.linear.gather [hbm4b:s16+s3], $0x80, $0x38;
	[tilespmem:$0x600] =	vst v63  }
0x45: {  	_ =	swait.ge [sflag:s9], $0x80  }
0x46: {  	[sflag:s9] =	ssyncset.done $0x0  }
0x47: {  	[sflag:s9] =	ssyncadd.s32 $0xFFFFFF80  }
0x48: {  	[spmem:s2] =	stream.indirect.scatter.add.f32 [tilespmem:s10], [sflag:$0x1], $0x1, s3, s10, $0xb8;
	[tilespmem:$0x600] =	vst v63  }
0x49: {  	_ =	swait.ge [sflag:s9], $0x80  }
0x4a: {  	s17 =	simm.s32 $0x20;
	s16 =	simm.s32 $0x10;
	[sflag:s9] =	ssyncset.done $0x0  }
.LBB2_2:
0x4b: {  	s18 =	sadd.s32 s16, s7  }
0x4c: {  	[sflag:s9] =	ssyncadd.s32 $0xFFFFFF80;
	s16 =	smov.u32 s17;
	s19 =	sadd.s32 $0x10, s17  }
0x4d: {  	[tilespmem:s3], [sflag:$0x1] =	stream.linear.gather [hbm4b:s18+s3], $0x80, $0x38;
	[tilespmem:$0x600] =	vst v63  }
0x4e: {  	p0 =	sne.s32 s17, $0x4F0;
	_ =	swait.ge [sflag:s9], $0x80  }
.Ltmp0:
0x4f: {  	[sflag:s9] =	ssyncset.done $0x0;
	(pc) =	sbr.rel @p0 .LBB2_2-.Ltmp0, $4  }
0x50: {  	[sflag:s9] =	ssyncadd.s32 $0xFFFFFF80  }
0x51: {  	[spmem:s2] =	stream.indirect.scatter.add.f32 [tilespmem:s10], [sflag:$0x1], $0x1, s3, s10, $0xb8;
	[tilespmem:$0x600] =	vst v63  }
0x52: {  	_ =	swait.ge [sflag:s9], $0x80  }
0x53: {  	s17 =	smov.u32 s19;
	[sflag:s9] =	ssyncset.done $0x0  }
0x54: {  	s16 =	sadd.s32 s16, s7;
	[sflag:s9] =	ssyncadd.s32 $0xFFFFFF80  }
0x55: {  	[tilespmem:s3], [sflag:$0x1] =	stream.linear.gather [hbm4b:s16+s3], $0x80, $0x38;
	[tilespmem:$0x600] =	vst v63  }
0x56: {  	_ =	swait.ge [sflag:s9], $0x80  }
0x57: {  	[sflag:s9] =	ssyncset.done $0x0  }
0x58: {  	[sflag:s9] =	ssyncadd.s32 $0xFFFFFF80  }
0x59: {  	[spmem:s2] =	stream.indirect.scatter.add.f32 [tilespmem:s10], [sflag:$0x1], $0x1, s3, s10, $0xb8;
	[tilespmem:$0x600] =	vst v63  }
0x5a: {  	_ =	swait.ge [sflag:s9], $0x80  }
0x5b: {  	s15 =	sadd.s32 $0x1, s15;
	[sflag:s9] =	ssyncset.done $0x0  }
0x5c: {  	p0 =	sne.s32 s15, s6;
	[sflag:s9] =	ssyncadd.s32 $0xFFFFFF80  }
.Ltmp1:
0x5d: {  	[bflag:$0x0] =	sbarrier.arrive $0xFFFF;
	(pc) =	sbr.rel @p0 .LBB2_1-.Ltmp1, $4  }
0x5e: {  	[hbm:s5@s13], [sflag:s11] =	dma.strided [spmem:s12@s14], $0x50, s9, $0x10   }
0x5f: {  	_ =	swait.ge [sflag:s9], $0x50  }
0x60: {  	[sflag:s9] =	ssyncset.done $0x0  }
0x61: {  	[sflag:s9] =	ssyncadd.s32 $0xFFFFFFB0  }
0x62: {  	_ =	sfence.sel $0x180000  }
0x63: {  	[bflag:$0x0] =	sbarrier.arrive $0xFFFF  }
0x64: {  	p0 =	sne.s32 s1, $0x0;
	_ =	strace $0x90000047  }
0x65: {  	s0 =	sadd.s32 @!p0 $0x100000, s0;
	[bflag:$0x2] =	sbarrier.arrive $0xFFFF  }
0x66: {  	[sflag:s0] =	ssyncadd.tile.s32 @!p0 $0x1;
	_ =	shalt  }
.Lfunc_end2:
_tile_overlayer_lowered:
.L_overlay_start_2:
0x67: {  	(tag) =	ssettag $0x2  }
0x68: {  	s0 =	rddreg [dreg:$0x0];
	s2 =	stileid.u32  }
0x69: {  	s1 =	rddreg [dreg:$0x1];
	p0 =	sne.s32 s2, $0x0  }
0x6a: {  	s3 =	rddreg [dreg:$0x2];
	[bflag:$0x3] =	sbarrier.arrive $0xFFFF;
	s2 =	simm.s32 @!p0 $0x1C01  }
0x6b: {  	[timem:s3], [sflag:s2] =	dma.local @!p0 [hbm:s0], s1  }
0x6c: {  	s0 =	simm.s32 @!p0 $0x1  }
0x6d: {  	_ =	swait.ge @!p0 [sflag:s0], s1  }
0x6e: {  	s1 =	ssub.s32 @!p0 $0x0, s1;
	[sflag:s0] =	ssyncset.done @!p0 $0x0  }
0x6f: {  	[sflag:s0] =	ssyncadd.s32 @!p0 s1  }
0x70: {  	[bflag:$0x3] =	sbarrier.arrive $0xFFFF  }
0x71: {  	_ =	shalt  }

</sc_bundles>
